<compile_context>
chip_gen: v7x
topology: tpu7x:2x2x1
jax: 0.10.2.dev20260603
libtpu: 0.0.44.dev20260713+nightly
codegen_flags: <defaults>
</compile_context>

<pallas_src>
import functools

import jax
import jax.numpy as jnp
from jax import lax
from jax.experimental import pallas as pl
from jax.experimental.pallas import tpu as pltpu
from jax.experimental.pallas import tpu_sc as plsc

WIDTH = 1242
HEIGHT = 375
WPAD = 1280
HPAD = 376
MAPN = HPAD * WPAD
VALID_LIM = HEIGHT * WPAD
ALPHA = 2.0
TLW = 4.0
DLW = 1.0
PLW = 40.0

NCORE = 2
NSUB = 16
SLICE = MAPN // NSUB


def _stage1_body(grt_ref, kmat_ref, rv_ref, tv_ref, pts_ref,
                 pix_ref, z_ref, psum_ref):
    i = pl.program_id(0)
    r0 = rv_ref[i, 0]
    r1 = rv_ref[i, 1]
    r2 = rv_ref[i, 2]
    t0 = tv_ref[i, 0]
    t1 = tv_ref[i, 1]
    t2 = tv_ref[i, 2]
    th2 = r0 * r0 + r1 * r1 + r2 * r2
    th = jnp.sqrt(th2)
    a = jnp.sin(th) / th
    bc = (1.0 - jnp.cos(th)) / th2
    ct = 1.0 - bc * th2
    rt00 = ct + bc * r0 * r0
    rt01 = -a * r2 + bc * r0 * r1
    rt02 = a * r1 + bc * r0 * r2
    rt10 = a * r2 + bc * r1 * r0
    rt11 = ct + bc * r1 * r1
    rt12 = -a * r0 + bc * r1 * r2
    rt20 = -a * r1 + bc * r2 * r0
    rt21 = a * r0 + bc * r2 * r1
    rt22 = ct + bc * r2 * r2

    x0 = pts_ref[0, 0:1, :]
    x1 = pts_ref[0, 1:2, :]
    x2 = pts_ref[0, 2:3, :]
    x3 = pts_ref[0, 3:4, :]

    def grow(cc):
        return (grt_ref[i, cc, 0] * x0 + grt_ref[i, cc, 1] * x1
                + grt_ref[i, cc, 2] * x2 + grt_ref[i, cc, 3] * x3)

    pg0 = grow(0)
    pg1 = grow(1)
    pg2 = grow(2)
    pg3 = grow(3)

    pp0 = rt00 * x0 + rt01 * x1 + rt02 * x2 + t0 * x3
    pp1 = rt10 * x0 + rt11 * x1 + rt12 * x2 + t1 * x3
    pp2 = rt20 * x0 + rt21 * x1 + rt22 * x2 + t2 * x3
    d0 = pp0 - pg0
    d1 = pp1 - pg1
    d2 = pp2 - pg2
    d3 = x3 - pg3
    err = jnp.sqrt(d0 * d0 + d1 * d1 + d2 * d2 + d3 * d3)
    psum_ref[...] = jnp.sum(err).reshape(1, 1, 1)

    u = kmat_ref[0, 0] * pp0 + kmat_ref[0, 1] * pp1 + kmat_ref[0, 2] * pp2
    v = kmat_ref[1, 0] * pp0 + kmat_ref[1, 1] * pp1 + kmat_ref[1, 2] * pp2
    z = kmat_ref[2, 0] * pp0 + kmat_ref[2, 1] * pp1 + kmat_ref[2, 2] * pp2
    x = jnp.clip(u / z, 0.0, WIDTH - 1.0)
    y = jnp.clip(v / z, 0.0, HEIGHT - 1.0)
    xi = x.astype(jnp.int32)
    yi = jnp.where(z > 0.0, y.astype(jnp.int32), HEIGHT)
    n = pts_ref.shape[2]
    pix_ref[...] = (yi * WPAD + xi).reshape(1, 1, n)
    z_ref[...] = z.reshape(1, 1, n)


def _stage3_body(cnt_ref, sz_ref, gt_ref, depth_ref):
    cm = cnt_ref[0, :HEIGHT, :WIDTH]
    sm = sz_ref[0, :HEIGHT, :WIDTH]
    g = gt_ref[0, 0]
    pred = jnp.where(cm > 0.5, sm / cm, 0.0)
    d = pred - g
    cs = jnp.sum(d * d, axis=0)
    depth_ref[...] = (jnp.sum(jnp.sqrt(cs)) / WIDTH).reshape(1, 1, 1)


def _stage4_body(depth_ref, psum_ref, gtt_ref, prt_ref, gtr_ref, prr_ref,
                 total_ref, tl_ref, dm_ref, pc_ref):
    b = depth_ref.shape[0]
    dml_b = jnp.sum(depth_ref[...]) / b
    pcl_b = jnp.sum(psum_ref[...]) / b
    dt = prt_ref[...] - gtt_ref[...]
    dr = prr_ref[...] - gtr_ref[...]
    lt = jnp.sum(dt * dt) / b
    lr = jnp.sum(dr * dr) / b
    tl = lt + ALPHA * lr
    total_ref[...] = (TLW * tl + DLW * dml_b + PLW * pcl_b).reshape(1, 1)
    tl_ref[...] = tl.reshape(1, 1)
    dm_ref[...] = dml_b.reshape(1, 1)
    pc_ref[...] = pcl_b.reshape(1, 1)


def _make_sc_kernel(batch, n):
    chunk = n // NSUB
    rows = chunk // 128
    b_per_core = batch // NCORE
    mesh = plsc.VectorSubcoreMesh(core_axis_name="c", subcore_axis_name="s")

    @functools.partial(
        pl.kernel,
        mesh=mesh,
        out_type=(
            jax.ShapeDtypeStruct((batch, 1, MAPN), jnp.float32),
            jax.ShapeDtypeStruct((batch, 1, MAPN), jnp.float32),
        ),
        scratch_types=[
            pltpu.VMEM((rows, 128), jnp.int32),
            pltpu.VMEM((rows, 128), jnp.float32),
            pltpu.VMEM((rows, 128), jnp.float32),
            pltpu.VMEM((rows, 128), jnp.float32),
            pltpu.VMEM((rows, 128), jnp.float32),
            pltpu.VMEM((rows, 128), jnp.float32),
            pltpu.VMEM((SLICE,), jnp.float32),
            pltpu.VMEM_SHARED((MAPN,), jnp.float32),
            pltpu.VMEM_SHARED((MAPN,), jnp.float32),
            pltpu.SemaphoreType.DMA,
        ],
    )
    def sc_kernel(pix_hbm, z_hbm, cnt_hbm, sz_hbm,
                  pix_v, z_v, pc_v, pz_v, nc_v, nz_v, zeros_v,
                  cntmap, szmap, sem):
        c = lax.axis_index("c")
        s = lax.axis_index("s")
        zero16 = jnp.zeros((16,), jnp.float32)

        def zero_body(w, carry):
            zeros_v[pl.ds(pl.multiple_of(w * 16, 16), 16)] = zero16
            return carry

        lax.fori_loop(0, SLICE // 16, zero_body, 0)
        sl_me = pl.ds(pl.multiple_of(s * SLICE, SLICE), SLICE)
        pltpu.sync_copy(zeros_v, cntmap.at[sl_me])
        pltpu.sync_copy(zeros_v, szmap.at[sl_me])
        plsc.subcore_barrier()

        def batch_body(k, carry):
            b = c * b_per_core + k
            pltpu.sync_copy(pix_hbm.at[b, s], pix_v)
            pltpu.sync_copy(z_hbm.at[b, s], z_v)

            def val_body(j, carry2):
                r = j >> 3
                sl = pl.ds(pl.multiple_of((j & 7) * 16, 16), 16)
                valid = pix_v[r, sl] < VALID_LIM
                cnt16 = jnp.where(valid, 1.0, 0.0)
                zz16 = jnp.where(valid, z_v[r, sl], 0.0)
                pc_v[r, sl] = cnt16
                pz_v[r, sl] = zz16
                nc_v[r, sl] = -cnt16
                nz_v[r, sl] = -zz16
                return carry2

            lax.fori_loop(0, rows * 8, val_body, 0)
            hs = []
            for r in range(rows):
                idx = pix_v.at[r]
                hs.append(pltpu.async_copy(pc_v.at[r], cntmap.at[idx], sem))
                hs.append(pltpu.async_copy(pz_v.at[r], szmap.at[idx], sem))
            for h in hs:
                h.wait()
            plsc.subcore_barrier()
            h1 = pltpu.async_copy(cntmap.at[sl_me],
                                  cnt_hbm.at[b, 0, sl_me], sem)
            h2 = pltpu.async_copy(szmap.at[sl_me],
                                  sz_hbm.at[b, 0, sl_me], sem)
            h1.wait()
            h2.wait()
            plsc.subcore_barrier()
            hs = []
            for r in range(rows):
                idx = pix_v.at[r]
                hs.append(pltpu.async_copy(nc_v.at[r], cntmap.at[idx], sem))
                hs.append(pltpu.async_copy(nz_v.at[r], szmap.at[idx], sem))
            for h in hs:
                h.wait()
            return carry

        lax.fori_loop(0, b_per_core, batch_body, 0)

    return sc_kernel


def kernel(point_clouds, gt_translation_vector, gt_rotation_vector,
           predicted_translation_vector, predicted_rotation_vector,
           gt_rt_matrix, k_matrix, gt_depth_map):
    batch = point_clouds.shape[0]
    n = point_clouds.shape[2]
    pts = jnp.transpose(point_clouds[:, 0], (0, 2, 1))

    smem = pl.BlockSpec(memory_space=pltpu.SMEM)
    pix, z, psum = pl.pallas_call(
        _stage1_body,
        grid=(batch,),
        in_specs=[
            smem,
            smem,
            smem,
            smem,
            pl.BlockSpec((1, 4, n), lambda i: (i, 0, 0)),
        ],
        out_specs=[
            pl.BlockSpec((1, 1, n), lambda i: (i, 0, 0)),
            pl.BlockSpec((1, 1, n), lambda i: (i, 0, 0)),
            pl.BlockSpec((1, 1, 1), lambda i: (i, 0, 0)),
        ],
        out_shape=[
            jax.ShapeDtypeStruct((batch, 1, n), jnp.int32),
            jax.ShapeDtypeStruct((batch, 1, n), jnp.float32),
            jax.ShapeDtypeStruct((batch, 1, 1), jnp.float32),
        ],
    )(gt_rt_matrix, k_matrix, predicted_rotation_vector,
      predicted_translation_vector, pts)

    pix4 = pix.reshape(batch, NSUB, n // NSUB // 128, 128)
    z4 = z.reshape(batch, NSUB, n // NSUB // 128, 128)
    cnt_maps, sz_maps = _make_sc_kernel(batch, n)(pix4, z4)
    cnt3 = cnt_maps.reshape(batch, HPAD, WPAD)
    sz3 = sz_maps.reshape(batch, HPAD, WPAD)

    depth = pl.pallas_call(
        _stage3_body,
        grid=(batch,),
        in_specs=[
            pl.BlockSpec((1, HPAD, WPAD), lambda i: (i, 0, 0)),
            pl.BlockSpec((1, HPAD, WPAD), lambda i: (i, 0, 0)),
            pl.BlockSpec((1, 1, HEIGHT, WIDTH), lambda i: (i, 0, 0, 0)),
        ],
        out_specs=pl.BlockSpec((1, 1, 1), lambda i: (i, 0, 0)),
        out_shape=jax.ShapeDtypeStruct((batch, 1, 1), jnp.float32),
    )(cnt3, sz3, gt_depth_map)

    outs = pl.pallas_call(
        _stage4_body,
        out_shape=[jax.ShapeDtypeStruct((1, 1), jnp.float32)] * 4,
    )(depth, psum / n,
      gt_translation_vector, predicted_translation_vector,
      gt_rotation_vector, predicted_rotation_vector)
    total, tl, dm, pc = (o.reshape(()) for o in outs)
    return (total, tl, dm, pc)

# --- scband reference (transcript-rebuilt; emitter-appended) ---
"""Pipeline reference for scband-total-loss-6236292513944 (READ-ONLY COPY).

The authoritative reference and input builder live on the scoring server;
editing this copy changes nothing except your own understanding.
"""

import jax, jax.numpy as jnp
import numpy as np

WIDTH = 1242
HEIGHT = 375
TLW = 4.0
DLW = 1.0
PLW = 40.0
ALPHA = 2.0


def setup_inputs(seed: int = 0) -> dict:
    key = jax.random.key(seed)
    ks = jax.random.split(key, 8)
    B, N = 16, 16384
    return {
        "point_clouds": jax.random.normal(ks[0], (B, 1, N, 4), dtype=jnp.float32),
        "gt_translation_vector": jax.random.normal(ks[1], (B, 3), dtype=jnp.float32),
        "gt_rotation_vector": jax.random.normal(ks[2], (B, 3), dtype=jnp.float32),
        "predicted_translation_vector": jax.random.normal(ks[3], (B, 3), dtype=jnp.float32),
        "predicted_rotation_vector": jax.random.normal(ks[4], (B, 3), dtype=jnp.float32),
        "gt_rt_matrix": jax.random.normal(ks[5], (B, 4, 4), dtype=jnp.float32),
        "k_matrix": jax.random.normal(ks[6], (3, 3), dtype=jnp.float32),
        "gt_depth_map": jax.random.uniform(ks[7], (B, 1, HEIGHT, WIDTH), dtype=jnp.float32) * 80.0,
    }


def _rodrigues(rv):
    theta = jnp.sqrt(rv[0] ** 2 + rv[1] ** 2 + rv[2] ** 2)
    z = jnp.zeros(())
    omega = jnp.stack([
        jnp.stack([z, -rv[2], rv[1]]),
        jnp.stack([rv[2], z, -rv[0]]),
        jnp.stack([-rv[1], rv[0], z]),
    ])
    A = jnp.sin(theta) / theta
    Bc = (1.0 - jnp.cos(theta)) / theta ** 2
    return jnp.eye(3) + A * omega + Bc * (omega @ omega)


def reference(point_clouds, gt_translation_vector, gt_rotation_vector, predicted_translation_vector, predicted_rotation_vector, gt_rt_matrix, k_matrix, gt_depth_map):
    loss_translation = jnp.mean(jnp.sum((predicted_translation_vector - gt_translation_vector) ** 2, axis=1))
    loss_rotation = jnp.mean(jnp.sum((predicted_rotation_vector - gt_rotation_vector) ** 2, axis=1))
    transformation_loss = loss_translation + loss_rotation * ALPHA
    B = point_clouds.shape[0]
    depth_map_loss = jnp.zeros(())
    point_clouds_loss = jnp.zeros(())
    for i in range(B):
        pts_t = point_clouds[i][0].T  # [4, N]
        pc_gt = gt_rt_matrix[i] @ pts_t
        R = _rodrigues(predicted_rotation_vector[i])
        T = predicted_translation_vector[i].reshape(3, 1)
        rt = jnp.vstack([jnp.hstack([R, T]), jnp.array([[0.0, 0.0, 0.0, 1.0]], dtype=jnp.float32)])
        pc_pred = rt @ pts_t
        error = jnp.linalg.norm(pc_pred - pc_gt, axis=0)
        point_clouds_loss = point_clouds_loss + error.mean()
        pts2d = k_matrix @ pc_pred[:-1, :]
        Z = pts2d[2, :]
        x = jnp.clip(pts2d[0, :] / Z, 0.0, WIDTH - 1)
        y = jnp.clip(pts2d[1, :] / Z, 0.0, HEIGHT - 1)
        xi = x.astype(jnp.int32)
        yi = jnp.where(Z > 0, y.astype(jnp.int32), HEIGHT)  # invalid rows scattered out-of-bounds -> dropped
        pred_depth = jnp.zeros_like(gt_depth_map[i][0]).at[yi, xi].set(Z, mode="drop")
        depth_error = jnp.linalg.norm(pred_depth - gt_depth_map[i][0], axis=0)
        depth_map_loss = depth_map_loss + depth_error.mean()
    total_loss = TLW * transformation_loss + DLW * (depth_map_loss / B) + PLW * (point_clouds_loss / B)
    return (total_loss, transformation_loss, depth_map_loss / B, point_clouds_loss / B)

if __name__ == "__main__":
    import jax
    _d = setup_inputs()
    print(jax.jit(kernel)(*tuple(_d.values())))

</pallas_src>

<mosaic_0001>
#map = affine_map<(d0, d1) -> (0, 0, 0, 0)>
#map1 = affine_map<(d0, d1) -> (0, 0, 0)>
module attributes {stable_mosaic.version = 14 : i64} {
  func.func @sc_kernel(%arg0: i32, %arg1: i32, %arg2: memref<16x16x8x128xi32, #tpu.memory_space<hbm>>, %arg3: memref<16x16x8x128xf32, #tpu.memory_space<hbm>>, %arg4: memref<16x1x481280xf32, #tpu.memory_space<hbm>>, %arg5: memref<16x1x481280xf32, #tpu.memory_space<hbm>>, %arg6: memref<8x128xi32, #tpu.memory_space<vmem>>, %arg7: memref<8x128xf32, #tpu.memory_space<vmem>>, %arg8: memref<8x128xf32, #tpu.memory_space<vmem>>, %arg9: memref<8x128xf32, #tpu.memory_space<vmem>>, %arg10: memref<8x128xf32, #tpu.memory_space<vmem>>, %arg11: memref<8x128xf32, #tpu.memory_space<vmem>>, %arg12: memref<30080xf32, #tpu.memory_space<vmem>>, %arg13: memref<481280xf32, #tpu.memory_space<vmem_shared>>, %arg14: memref<481280xf32, #tpu.memory_space<vmem_shared>>, %arg15: memref<!tpu.dma_semaphore, #tpu.memory_space<semaphore_mem>>) attributes {dimension_semantics = [#tpu.dimension_semantics<core_parallel>, #tpu.dimension_semantics<subcore_parallel>], iteration_bounds = array<i64: 2, 16>, scalar_prefetch = 0 : i64, scratch_operands = 10 : i64, tpu.core_type = #tpu.core_type<sc_vector_subcore>, window_params = [{transform_indices = #map}, {transform_indices = #map}, {transform_indices = #map1}, {transform_indices = #map1}]} {
    %broadcast_in_dim3A = arith.constant 0.000000e+00 : f32
    %broadcast_in_dim3A_0 = vector.broadcast %broadcast_in_dim3A : f32 to vector<16xf32>
    %scan3A = arith.constant 0 : i32
    %scan3A_1 = arith.constant 0 : i32
    %scan3A_2 = arith.constant 1880 : i32
    %scan3A_3 = arith.addi %scan3A_1, %scan3A_2 : i32
    %scan3A_4 = arith.constant 1 : i32
    scf.for %scan3A_13 = %scan3A_1 to %scan3A_3 step %scan3A_4  : i32 {
      %mul3A_14 = arith.constant 16 : i32
      %mul3A_15 = arith.muli %scan3A_13, %mul3A_14 : i32
      %multiple_of3A_16 = tpu.assume_multiple %mul3A_15, 16 : i32
      %swap3A = arith.index_cast %multiple_of3A_16 : i32 to index
      %swap3A_17 = tpu.vector_load %arg12[%swap3A] {strides = array<i32>} : memref<30080xf32, #tpu.memory_space<vmem>>, vector<16xf32>,
      %swap3A_18 = vector.shape_cast %swap3A_17 : vector<16xf32> to vector<16xf32>
      %swap3A_19 = vector.shape_cast %broadcast_in_dim3A_0 : vector<16xf32> to vector<16xf32>
      tpu.vector_store %arg12[%swap3A], %swap3A_19 {strides = array<i32>} : memref<30080xf32, #tpu.memory_space<vmem>>, vector<16xf32>,
    }
    %scan3A_5 = arith.constant 1880 : i32
    %mul3A = arith.constant 30080 : i32
    %mul3A_6 = arith.muli %arg1, %mul3A : i32
    %multiple_of3A = tpu.assume_multiple %mul3A_6, 30080 : i32
    "tpu.region"() ({
      %run_scoped3A = tpu.sem_alloc : memref<!tpu.dma_semaphore, #tpu.memory_space<semaphore_mem>>
      %dma_start3A = tpu.memref_slice %arg13[%multiple_of3A] : memref<481280xf32, #tpu.memory_space<vmem_shared>> -> memref<30080xf32, #tpu.memory_space<vmem_shared>>
      %dma_start3A_13 = tpu.memref_slice %arg13[%multiple_of3A] : memref<481280xf32, #tpu.memory_space<vmem_shared>> -> memref<30080xf32, #tpu.memory_space<vmem_shared>>
      tpu.enqueue_dma source(%arg12 : memref<30080xf32, #tpu.memory_space<vmem>>) target(%dma_start3A_13 : memref<30080xf32, #tpu.memory_space<vmem_shared>>) target_semaphore(%run_scoped3A : memref<!tpu.dma_semaphore, #tpu.memory_space<semaphore_mem>>)
      %dma_wait3A = tpu.memref_slice %arg13[%multiple_of3A] : memref<481280xf32, #tpu.memory_space<vmem_shared>> -> memref<30080xf32, #tpu.memory_space<vmem_shared>>
      %dma_wait3A_14 = tpu.memref_slice %arg13[%multiple_of3A] : memref<481280xf32, #tpu.memory_space<vmem_shared>> -> memref<30080xf32, #tpu.memory_space<vmem_shared>>
      tpu.wait_dma2 semaphore(%run_scoped3A : memref<!tpu.dma_semaphore, #tpu.memory_space<semaphore_mem>>) src(%arg12 : memref<30080xf32, #tpu.memory_space<vmem>>) dst(%dma_wait3A_14 : memref<30080xf32, #tpu.memory_space<vmem_shared>>)
      tpu.yield
    }) : () -> ()
    "tpu.region"() ({
      %run_scoped3A = tpu.sem_alloc : memref<!tpu.dma_semaphore, #tpu.memory_space<semaphore_mem>>
      %dma_start3A = tpu.memref_slice %arg14[%multiple_of3A] : memref<481280xf32, #tpu.memory_space<vmem_shared>> -> memref<30080xf32, #tpu.memory_space<vmem_shared>>
      %dma_start3A_13 = tpu.memref_slice %arg14[%multiple_of3A] : memref<481280xf32, #tpu.memory_space<vmem_shared>> -> memref<30080xf32, #tpu.memory_space<vmem_shared>>
      tpu.enqueue_dma source(%arg12 : memref<30080xf32, #tpu.memory_space<vmem>>) target(%dma_start3A_13 : memref<30080xf32, #tpu.memory_space<vmem_shared>>) target_semaphore(%run_scoped3A : memref<!tpu.dma_semaphore, #tpu.memory_space<semaphore_mem>>)
      %dma_wait3A = tpu.memref_slice %arg14[%multiple_of3A] : memref<481280xf32, #tpu.memory_space<vmem_shared>> -> memref<30080xf32, #tpu.memory_space<vmem_shared>>
      %dma_wait3A_14 = tpu.memref_slice %arg14[%multiple_of3A] : memref<481280xf32, #tpu.memory_space<vmem_shared>> -> memref<30080xf32, #tpu.memory_space<vmem_shared>>
      tpu.wait_dma2 semaphore(%run_scoped3A : memref<!tpu.dma_semaphore, #tpu.memory_space<semaphore_mem>>) src(%arg12 : memref<30080xf32, #tpu.memory_space<vmem>>) dst(%dma_wait3A_14 : memref<30080xf32, #tpu.memory_space<vmem_shared>>)
      tpu.yield
    }) : () -> ()
    %barrier3A = arith.constant 0 : index
    tpu.barrier barrier_id(%barrier3A)
    %scan3A_7 = arith.constant 0 : i32
    %scan3A_8 = arith.constant 0 : i32
    %scan3A_9 = arith.constant 8 : i32
    %scan3A_10 = arith.addi %scan3A_8, %scan3A_9 : i32
    %scan3A_11 = arith.constant 1 : i32
    scf.for %scan3A_13 = %scan3A_8 to %scan3A_10 step %scan3A_11  : i32 {
      %mul3A_14 = arith.constant 8 : i32
      %mul3A_15 = arith.muli %arg0, %mul3A_14 : i32
      %add3A = arith.addi %mul3A_15, %scan3A_13 : i32
      "tpu.region"() ({
        %run_scoped3A = tpu.sem_alloc : memref<!tpu.dma_semaphore, #tpu.memory_space<semaphore_mem>>
        %dma_start3A_678 = arith.constant 0 : i32
        %dma_start3A_679 = arith.constant 0 : i32
        %dma_start3A_680 = tpu.memref_slice %arg2[%add3A, %arg1, %dma_start3A_678, %dma_start3A_679] : memref<16x16x8x128xi32, #tpu.memory_space<hbm>> -> memref<1x1x8x128xi32, #tpu.memory_space<hbm>>
        %dma_start3A_681 = tpu.memref_squeeze %dma_start3A_680 : memref<1x1x8x128xi32, #tpu.memory_space<hbm>> -> memref<8x128xi32, #tpu.memory_space<hbm>>
        %dma_start3A_682 = arith.constant 0 : i32
        %dma_start3A_683 = arith.constant 0 : i32
        %dma_start3A_684 = tpu.memref_slice %arg2[%add3A, %arg1, %dma_start3A_682, %dma_start3A_683] : memref<16x16x8x128xi32, #tpu.memory_space<hbm>> -> memref<1x1x8x128xi32, #tpu.memory_space<hbm>>
        %dma_start3A_685 = tpu.memref_squeeze %dma_start3A_684 : memref<1x1x8x128xi32, #tpu.memory_space<hbm>> -> memref<8x128xi32, #tpu.memory_space<hbm>>
        tpu.enqueue_dma source(%dma_start3A_685 : memref<8x128xi32, #tpu.memory_space<hbm>>) target(%arg6 : memref<8x128xi32, #tpu.memory_space<vmem>>) target_semaphore(%run_scoped3A : memref<!tpu.dma_semaphore, #tpu.memory_space<semaphore_mem>>)
        %dma_wait3A_686 = arith.constant 0 : i32
        %dma_wait3A_687 = arith.constant 0 : i32
        %dma_wait3A_688 = tpu.memref_slice %arg2[%add3A, %arg1, %dma_wait3A_686, %dma_wait3A_687] : memref<16x16x8x128xi32, #tpu.memory_space<hbm>> -> memref<1x1x8x128xi32, #tpu.memory_space<hbm>>
        %dma_wait3A_689 = tpu.memref_squeeze %dma_wait3A_688 : memref<1x1x8x128xi32, #tpu.memory_space<hbm>> -> memref<8x128xi32, #tpu.memory_space<hbm>>
        %dma_wait3A_690 = arith.constant 0 : i32
        %dma_wait3A_691 = arith.constant 0 : i32
        %dma_wait3A_692 = tpu.memref_slice %arg2[%add3A, %arg1, %dma_wait3A_690, %dma_wait3A_691] : memref<16x16x8x128xi32, #tpu.memory_space<hbm>> -> memref<1x1x8x128xi32, #tpu.memory_space<hbm>>
        %dma_wait3A_693 = tpu.memref_squeeze %dma_wait3A_692 : memref<1x1x8x128xi32, #tpu.memory_space<hbm>> -> memref<8x128xi32, #tpu.memory_space<hbm>>
        tpu.wait_dma2 semaphore(%run_scoped3A : memref<!tpu.dma_semaphore, #tpu.memory_space<semaphore_mem>>) src(%dma_wait3A_693 : memref<8x128xi32, #tpu.memory_space<hbm>>) dst(%arg6 : memref<8x128xi32, #tpu.memory_space<vmem>>)
        tpu.yield
      }) : () -> ()
      "tpu.region"() ({
        %run_scoped3A = tpu.sem_alloc : memref<!tpu.dma_semaphore, #tpu.memory_space<semaphore_mem>>
        %dma_start3A_678 = arith.constant 0 : i32
        %dma_start3A_679 = arith.constant 0 : i32
        %dma_start3A_680 = tpu.memref_slice %arg3[%add3A, %arg1, %dma_start3A_678, %dma_start3A_679] : memref<16x16x8x128xf32, #tpu.memory_space<hbm>> -> memref<1x1x8x128xf32, #tpu.memory_space<hbm>>
        %dma_start3A_681 = tpu.memref_squeeze %dma_start3A_680 : memref<1x1x8x128xf32, #tpu.memory_space<hbm>> -> memref<8x128xf32, #tpu.memory_space<hbm>>
        %dma_start3A_682 = arith.constant 0 : i32
        %dma_start3A_683 = arith.constant 0 : i32
        %dma_start3A_684 = tpu.memref_slice %arg3[%add3A, %arg1, %dma_start3A_682, %dma_start3A_683] : memref<16x16x8x128xf32, #tpu.memory_space<hbm>> -> memref<1x1x8x128xf32, #tpu.memory_space<hbm>>
        %dma_start3A_685 = tpu.memref_squeeze %dma_start3A_684 : memref<1x1x8x128xf32, #tpu.memory_space<hbm>> -> memref<8x128xf32, #tpu.memory_space<hbm>>
        tpu.enqueue_dma source(%dma_start3A_685 : memref<8x128xf32, #tpu.memory_space<hbm>>) target(%arg7 : memref<8x128xf32, #tpu.memory_space<vmem>>) target_semaphore(%run_scoped3A : memref<!tpu.dma_semaphore, #tpu.memory_space<semaphore_mem>>)
        %dma_wait3A_686 = arith.constant 0 : i32
        %dma_wait3A_687 = arith.constant 0 : i32
        %dma_wait3A_688 = tpu.memref_slice %arg3[%add3A, %arg1, %dma_wait3A_686, %dma_wait3A_687] : memref<16x16x8x128xf32, #tpu.memory_space<hbm>> -> memref<1x1x8x128xf32, #tpu.memory_space<hbm>>
        %dma_wait3A_689 = tpu.memref_squeeze %dma_wait3A_688 : memref<1x1x8x128xf32, #tpu.memory_space<hbm>> -> memref<8x128xf32, #tpu.memory_space<hbm>>
        %dma_wait3A_690 = arith.constant 0 : i32
        %dma_wait3A_691 = arith.constant 0 : i32
        %dma_wait3A_692 = tpu.memref_slice %arg3[%add3A, %arg1, %dma_wait3A_690, %dma_wait3A_691] : memref<16x16x8x128xf32, #tpu.memory_space<hbm>> -> memref<1x1x8x128xf32, #tpu.memory_space<hbm>>
        %dma_wait3A_693 = tpu.memref_squeeze %dma_wait3A_692 : memref<1x1x8x128xf32, #tpu.memory_space<hbm>> -> memref<8x128xf32, #tpu.memory_space<hbm>>
        tpu.wait_dma2 semaphore(%run_scoped3A : memref<!tpu.dma_semaphore, #tpu.memory_space<semaphore_mem>>) src(%dma_wait3A_693 : memref<8x128xf32, #tpu.memory_space<hbm>>) dst(%arg7 : memref<8x128xf32, #tpu.memory_space<vmem>>)
        tpu.yield
      }) : () -> ()
      %scan3A_16 = arith.constant 0 : i32
      %scan3A_17 = arith.constant 0 : i32
      %scan3A_18 = arith.constant 64 : i32
      %scan3A_19 = arith.addi %scan3A_17, %scan3A_18 : i32
      %scan3A_20 = arith.constant 1 : i32
      scf.for %scan3A_678 = %scan3A_17 to %scan3A_19 step %scan3A_20  : i32 {
        %shift_right_arithmetic3A = arith.constant 3 : i32
        %shift_right_arithmetic3A_679 = arith.shrsi %scan3A_678, %shift_right_arithmetic3A : i32
        %and3A = arith.constant 7 : i32
        %and3A_680 = arith.andi %scan3A_678, %and3A : i32
        %mul3A_681 = arith.constant 16 : i32
        %mul3A_682 = arith.muli %and3A_680, %mul3A_681 : i32
        %multiple_of3A_683 = tpu.assume_multiple %mul3A_682, 16 : i32
        %get3A = arith.index_cast %shift_right_arithmetic3A_679 : i32 to index
        %get3A_684 = arith.index_cast %multiple_of3A_683 : i32 to index
        %get3A_685 = tpu.vector_load %arg6[%get3A, %get3A_684] {strides = array<i32>} : memref<8x128xi32, #tpu.memory_space<vmem>>, vector<1x16xi32>,
        %get3A_686 = vector.shape_cast %get3A_685 : vector<1x16xi32> to vector<16xi32>
        %lt3A = arith.constant 480000 : i32
        %lt3A_687 = vector.broadcast %lt3A : i32 to vector<16xi32>
        %lt3A_688 = arith.cmpi slt, %get3A_686, %lt3A_687 : vector<16xi32>
        %jit3A = arith.constant 1.000000e+00 : f32
        %jit3A_689 = arith.constant 0.000000e+00 : f32
        %broadcast_in_dim3A_690 = vector.broadcast %jit3A : f32 to vector<16xf32>
        %broadcast_in_dim3A_691 = vector.broadcast %jit3A_689 : f32 to vector<16xf32>
        %select_n3A = arith.select %lt3A_688, %broadcast_in_dim3A_690, %broadcast_in_dim3A_691 : vector<16xi1>, vector<16xf32>
        %get3A_692 = arith.index_cast %shift_right_arithmetic3A_679 : i32 to index
        %get3A_693 = arith.index_cast %multiple_of3A_683 : i32 to index
        %get3A_694 = tpu.vector_load %arg7[%get3A_692, %get3A_693] {strides = array<i32>} : memref<8x128xf32, #tpu.memory_space<vmem>>, vector<1x16xf32>,
        %get3A_695 = vector.shape_cast %get3A_694 : vector<1x16xf32> to vector<16xf32>
        %jit3A_696 = arith.constant 0.000000e+00 : f32
        %broadcast_in_dim3A_697 = vector.broadcast %jit3A_696 : f32 to vector<16xf32>
        %select_n3A_698 = arith.select %lt3A_688, %get3A_695, %broadcast_in_dim3A_697 : vector<16xi1>, vector<16xf32>
        %swap3A = arith.index_cast %shift_right_arithmetic3A_679 : i32 to index
        %swap3A_699 = arith.index_cast %multiple_of3A_683 : i32 to index
        %swap3A_700 = tpu.vector_load %arg8[%swap3A, %swap3A_699] {strides = array<i32>} : memref<8x128xf32, #tpu.memory_space<vmem>>, vector<1x16xf32>,
        %swap3A_701 = vector.shape_cast %swap3A_700 : vector<1x16xf32> to vector<16xf32>
        %swap3A_702 = vector.shape_cast %select_n3A : vector<16xf32> to vector<1x16xf32>
        tpu.vector_store %arg8[%swap3A, %swap3A_699], %swap3A_702 {strides = array<i32>} : memref<8x128xf32, #tpu.memory_space<vmem>>, vector<1x16xf32>,
        %swap3A_703 = arith.index_cast %shift_right_arithmetic3A_679 : i32 to index
        %swap3A_704 = arith.index_cast %multiple_of3A_683 : i32 to index
        %swap3A_705 = tpu.vector_load %arg9[%swap3A_703, %swap3A_704] {strides = array<i32>} : memref<8x128xf32, #tpu.memory_space<vmem>>, vector<1x16xf32>,
        %swap3A_706 = vector.shape_cast %swap3A_705 : vector<1x16xf32> to vector<16xf32>
        %swap3A_707 = vector.shape_cast %select_n3A_698 : vector<16xf32> to vector<1x16xf32>
        tpu.vector_store %arg9[%swap3A_703, %swap3A_704], %swap3A_707 {strides = array<i32>} : memref<8x128xf32, #tpu.memory_space<vmem>>, vector<1x16xf32>,
        %neg3A = arith.constant 0.000000e+00 : f32
        %neg3A_708 = vector.broadcast %neg3A : f32 to vector<16xf32>
        %neg3A_709 = arith.subf %neg3A_708, %select_n3A : vector<16xf32>
        %swap3A_710 = arith.index_cast %shift_right_arithmetic3A_679 : i32 to index
        %swap3A_711 = arith.index_cast %multiple_of3A_683 : i32 to index
        %swap3A_712 = tpu.vector_load %arg10[%swap3A_710, %swap3A_711] {strides = array<i32>} : memref<8x128xf32, #tpu.memory_space<vmem>>, vector<1x16xf32>,
        %swap3A_713 = vector.shape_cast %swap3A_712 : vector<1x16xf32> to vector<16xf32>
        %swap3A_714 = vector.shape_cast %neg3A_709 : vector<16xf32> to vector<1x16xf32>
        tpu.vector_store %arg10[%swap3A_710, %swap3A_711], %swap3A_714 {strides = array<i32>} : memref<8x128xf32, #tpu.memory_space<vmem>>, vector<1x16xf32>,
        %neg3A_715 = arith.constant 0.000000e+00 : f32
        %neg3A_716 = vector.broadcast %neg3A_715 : f32 to vector<16xf32>
        %neg3A_717 = arith.subf %neg3A_716, %select_n3A_698 : vector<16xf32>
        %swap3A_718 = arith.index_cast %shift_right_arithmetic3A_679 : i32 to index
        %swap3A_719 = arith.index_cast %multiple_of3A_683 : i32 to index
        %swap3A_720 = tpu.vector_load %arg11[%swap3A_718, %swap3A_719] {strides = array<i32>} : memref<8x128xf32, #tpu.memory_space<vmem>>, vector<1x16xf32>,
        %swap3A_721 = vector.shape_cast %swap3A_720 : vector<1x16xf32> to vector<16xf32>
        %swap3A_722 = vector.shape_cast %neg3A_717 : vector<16xf32> to vector<1x16xf32>
        tpu.vector_store %arg11[%swap3A_718, %swap3A_719], %swap3A_722 {strides = array<i32>} : memref<8x128xf32, #tpu.memory_space<vmem>>, vector<1x16xf32>,
      }
      %scan3A_21 = arith.constant 64 : i32
      %dma_start3A = arith.constant 0 : i32
      %dma_start3A_22 = arith.constant 0 : i32
      %dma_start3A_23 = arith.constant 0 : i32
      %dma_start3A_24 = tpu.memref_slice %arg8[%dma_start3A, %dma_start3A_23] : memref<8x128xf32, #tpu.memory_space<vmem>> -> memref<1x128xf32, #tpu.memory_space<vmem>>
      %dma_start3A_25 = tpu.memref_squeeze %dma_start3A_24 : memref<1x128xf32, #tpu.memory_space<vmem>> -> memref<128xf32, #tpu.memory_space<vmem>>
      %dma_start3A_26 = arith.constant 0 : i32
      %dma_start3A_27 = tpu.memref_slice %arg6[%dma_start3A_22, %dma_start3A_26] : memref<8x128xi32, #tpu.memory_space<vmem>> -> memref<1x128xi32, #tpu.memory_space<vmem>>
      %dma_start3A_28 = tpu.memref_squeeze %dma_start3A_27 : memref<1x128xi32, #tpu.memory_space<vmem>> -> memref<128xi32, #tpu.memory_space<vmem>>
      %dma_start3A_29 = arith.constant 0 : i32
      %dma_start3A_30 = tpu.memref_slice %arg13[%dma_start3A_29] : memref<481280xf32, #tpu.memory_space<vmem_shared>> -> memref<481280xf32, #tpu.memory_space<vmem_shared>>
      tpu.enqueue_indirect_dma source(%dma_start3A_25 : memref<128xf32, #tpu.memory_space<vmem>>) target(%dma_start3A_30 : memref<481280xf32, #tpu.memory_space<vmem_shared>>) offsets(%dma_start3A_28 : memref<128xi32, #tpu.memory_space<vmem>>) semaphore(%arg15 : memref<!tpu.dma_semaphore, #tpu.memory_space<semaphore_mem>>)
      %dma_start3A_31 = arith.constant 0 : i32
      %dma_start3A_32 = arith.constant 0 : i32
      %dma_start3A_33 = arith.constant 0 : i32
      %dma_start3A_34 = tpu.memref_slice %arg9[%dma_start3A_31, %dma_start3A_33] : memref<8x128xf32, #tpu.memory_space<vmem>> -> memref<1x128xf32, #tpu.memory_space<vmem>>
      %dma_start3A_35 = tpu.memref_squeeze %dma_start3A_34 : memref<1x128xf32, #tpu.memory_space<vmem>> -> memref<128xf32, #tpu.memory_space<vmem>>
      %dma_start3A_36 = arith.constant 0 : i32
      %dma_start3A_37 = tpu.memref_slice %arg6[%dma_start3A_32, %dma_start3A_36] : memref<8x128xi32, #tpu.memory_space<vmem>> -> memref<1x128xi32, #tpu.memory_space<vmem>>
      %dma_start3A_38 = tpu.memref_squeeze %dma_start3A_37 : memref<1x128xi32, #tpu.memory_space<vmem>> -> memref<128xi32, #tpu.memory_space<vmem>>
      %dma_start3A_39 = arith.constant 0 : i32
      %dma_start3A_40 = tpu.memref_slice %arg14[%dma_start3A_39] : memref<481280xf32, #tpu.memory_space<vmem_shared>> -> memref<481280xf32, #tpu.memory_space<vmem_shared>>
      tpu.enqueue_indirect_dma source(%dma_start3A_35 : memref<128xf32, #tpu.memory_space<vmem>>) target(%dma_start3A_40 : memref<481280xf32, #tpu.memory_space<vmem_shared>>) offsets(%dma_start3A_38 : memref<128xi32, #tpu.memory_space<vmem>>) semaphore(%arg15 : memref<!tpu.dma_semaphore, #tpu.memory_space<semaphore_mem>>)
      %dma_start3A_41 = arith.constant 1 : i32
      %dma_start3A_42 = arith.constant 1 : i32
      %dma_start3A_43 = arith.constant 0 : i32
      %dma_start3A_44 = tpu.memref_slice %arg8[%dma_start3A_41, %dma_start3A_43] : memref<8x128xf32, #tpu.memory_space<vmem>> -> memref<1x128xf32, #tpu.memory_space<vmem>>
      %dma_start3A_45 = tpu.memref_squeeze %dma_start3A_44 : memref<1x128xf32, #tpu.memory_space<vmem>> -> memref<128xf32, #tpu.memory_space<vmem>>
      %dma_start3A_46 = arith.constant 0 : i32
      %dma_start3A_47 = tpu.memref_slice %arg6[%dma_start3A_42, %dma_start3A_46] : memref<8x128xi32, #tpu.memory_space<vmem>> -> memref<1x128xi32, #tpu.memory_space<vmem>>
      %dma_start3A_48 = tpu.memref_squeeze %dma_start3A_47 : memref<1x128xi32, #tpu.memory_space<vmem>> -> memref<128xi32, #tpu.memory_space<vmem>>
      %dma_start3A_49 = arith.constant 0 : i32
      %dma_start3A_50 = tpu.memref_slice %arg13[%dma_start3A_49] : memref<481280xf32, #tpu.memory_space<vmem_shared>> -> memref<481280xf32, #tpu.memory_space<vmem_shared>>
      tpu.enqueue_indirect_dma source(%dma_start3A_45 : memref<128xf32, #tpu.memory_space<vmem>>) target(%dma_start3A_50 : memref<481280xf32, #tpu.memory_space<vmem_shared>>) offsets(%dma_start3A_48 : memref<128xi32, #tpu.memory_space<vmem>>) semaphore(%arg15 : memref<!tpu.dma_semaphore, #tpu.memory_space<semaphore_mem>>)
      %dma_start3A_51 = arith.constant 1 : i32
      %dma_start3A_52 = arith.constant 1 : i32
      %dma_start3A_53 = arith.constant 0 : i32
      %dma_start3A_54 = tpu.memref_slice %arg9[%dma_start3A_51, %dma_start3A_53] : memref<8x128xf32, #tpu.memory_space<vmem>> -> memref<1x128xf32, #tpu.memory_space<vmem>>
      %dma_start3A_55 = tpu.memref_squeeze %dma_start3A_54 : memref<1x128xf32, #tpu.memory_space<vmem>> -> memref<128xf32, #tpu.memory_space<vmem>>
      %dma_start3A_56 = arith.constant 0 : i32
      %dma_start3A_57 = tpu.memref_slice %arg6[%dma_start3A_52, %dma_start3A_56] : memref<8x128xi32, #tpu.memory_space<vmem>> -> memref<1x128xi32, #tpu.memory_space<vmem>>
      %dma_start3A_58 = tpu.memref_squeeze %dma_start3A_57 : memref<1x128xi32, #tpu.memory_space<vmem>> -> memref<128xi32, #tpu.memory_space<vmem>>
      %dma_start3A_59 = arith.constant 0 : i32
      %dma_start3A_60 = tpu.memref_slice %arg14[%dma_start3A_59] : memref<481280xf32, #tpu.memory_space<vmem_shared>> -> memref<481280xf32, #tpu.memory_space<vmem_shared>>
      tpu.enqueue_indirect_dma source(%dma_start3A_55 : memref<128xf32, #tpu.memory_space<vmem>>) target(%dma_start3A_60 : memref<481280xf32, #tpu.memory_space<vmem_shared>>) offsets(%dma_start3A_58 : memref<128xi32, #tpu.memory_space<vmem>>) semaphore(%arg15 : memref<!tpu.dma_semaphore, #tpu.memory_space<semaphore_mem>>)
      %dma_start3A_61 = arith.constant 2 : i32
      %dma_start3A_62 = arith.constant 2 : i32
      %dma_start3A_63 = arith.constant 0 : i32
      %dma_start3A_64 = tpu.memref_slice %arg8[%dma_start3A_61, %dma_start3A_63] : memref<8x128xf32, #tpu.memory_space<vmem>> -> memref<1x128xf32, #tpu.memory_space<vmem>>
      %dma_start3A_65 = tpu.memref_squeeze %dma_start3A_64 : memref<1x128xf32, #tpu.memory_space<vmem>> -> memref<128xf32, #tpu.memory_space<vmem>>
      %dma_start3A_66 = arith.constant 0 : i32
      %dma_start3A_67 = tpu.memref_slice %arg6[%dma_start3A_62, %dma_start3A_66] : memref<8x128xi32, #tpu.memory_space<vmem>> -> memref<1x128xi32, #tpu.memory_space<vmem>>
      %dma_start3A_68 = tpu.memref_squeeze %dma_start3A_67 : memref<1x128xi32, #tpu.memory_space<vmem>> -> memref<128xi32, #tpu.memory_space<vmem>>
      %dma_start3A_69 = arith.constant 0 : i32
      %dma_start3A_70 = tpu.memref_slice %arg13[%dma_start3A_69] : memref<481280xf32, #tpu.memory_space<vmem_shared>> -> memref<481280xf32, #tpu.memory_space<vmem_shared>>
      tpu.enqueue_indirect_dma source(%dma_start3A_65 : memref<128xf32, #tpu.memory_space<vmem>>) target(%dma_start3A_70 : memref<481280xf32, #tpu.memory_space<vmem_shared>>) offsets(%dma_start3A_68 : memref<128xi32, #tpu.memory_space<vmem>>) semaphore(%arg15 : memref<!tpu.dma_semaphore, #tpu.memory_space<semaphore_mem>>)
      %dma_start3A_71 = arith.constant 2 : i32
      %dma_start3A_72 = arith.constant 2 : i32
      %dma_start3A_73 = arith.constant 0 : i32
      %dma_start3A_74 = tpu.memref_slice %arg9[%dma_start3A_71, %dma_start3A_73] : memref<8x128xf32, #tpu.memory_space<vmem>> -> memref<1x128xf32, #tpu.memory_space<vmem>>
      %dma_start3A_75 = tpu.memref_squeeze %dma_start3A_74 : memref<1x128xf32, #tpu.memory_space<vmem>> -> memref<128xf32, #tpu.memory_space<vmem>>
      %dma_start3A_76 = arith.constant 0 : i32
      %dma_start3A_77 = tpu.memref_slice %arg6[%dma_start3A_72, %dma_start3A_76] : memref<8x128xi32, #tpu.memory_space<vmem>> -> memref<1x128xi32, #tpu.memory_space<vmem>>
      %dma_start3A_78 = tpu.memref_squeeze %dma_start3A_77 : memref<1x128xi32, #tpu.memory_space<vmem>> -> memref<128xi32, #tpu.memory_space<vmem>>
      %dma_start3A_79 = arith.constant 0 : i32
      %dma_start3A_80 = tpu.memref_slice %arg14[%dma_start3A_79] : memref<481280xf32, #tpu.memory_space<vmem_shared>> -> memref<481280xf32, #tpu.memory_space<vmem_shared>>
      tpu.enqueue_indirect_dma source(%dma_start3A_75 : memref<128xf32, #tpu.memory_space<vmem>>) target(%dma_start3A_80 : memref<481280xf32, #tpu.memory_space<vmem_shared>>) offsets(%dma_start3A_78 : memref<128xi32, #tpu.memory_space<vmem>>) semaphore(%arg15 : memref<!tpu.dma_semaphore, #tpu.memory_space<semaphore_mem>>)
      %dma_start3A_81 = arith.constant 3 : i32
      %dma_start3A_82 = arith.constant 3 : i32
      %dma_start3A_83 = arith.constant 0 : i32
      %dma_start3A_84 = tpu.memref_slice %arg8[%dma_start3A_81, %dma_start3A_83] : memref<8x128xf32, #tpu.memory_space<vmem>> -> memref<1x128xf32, #tpu.memory_space<vmem>>
      %dma_start3A_85 = tpu.memref_squeeze %dma_start3A_84 : memref<1x128xf32, #tpu.memory_space<vmem>> -> memref<128xf32, #tpu.memory_space<vmem>>
      %dma_start3A_86 = arith.constant 0 : i32
      %dma_start3A_87 = tpu.memref_slice %arg6[%dma_start3A_82, %dma_start3A_86] : memref<8x128xi32, #tpu.memory_space<vmem>> -> memref<1x128xi32, #tpu.memory_space<vmem>>
      %dma_start3A_88 = tpu.memref_squeeze %dma_start3A_87 : memref<1x128xi32, #tpu.memory_space<vmem>> -> memref<128xi32, #tpu.memory_space<vmem>>
      %dma_start3A_89 = arith.constant 0 : i32
      %dma_start3A_90 = tpu.memref_slice %arg13[%dma_start3A_89] : memref<481280xf32, #tpu.memory_space<vmem_shared>> -> memref<481280xf32, #tpu.memory_space<vmem_shared>>
      tpu.enqueue_indirect_dma source(%dma_start3A_85 : memref<128xf32, #tpu.memory_space<vmem>>) target(%dma_start3A_90 : memref<481280xf32, #tpu.memory_space<vmem_shared>>) offsets(%dma_start3A_88 : memref<128xi32, #tpu.memory_space<vmem>>) semaphore(%arg15 : memref<!tpu.dma_semaphore, #tpu.memory_space<semaphore_mem>>)
      %dma_start3A_91 = arith.constant 3 : i32
      %dma_start3A_92 = arith.constant 3 : i32
      %dma_start3A_93 = arith.constant 0 : i32
      %dma_start3A_94 = tpu.memref_slice %arg9[%dma_start3A_91, %dma_start3A_93] : memref<8x128xf32, #tpu.memory_space<vmem>> -> memref<1x128xf32, #tpu.memory_space<vmem>>
      %dma_start3A_95 = tpu.memref_squeeze %dma_start3A_94 : memref<1x128xf32, #tpu.memory_space<vmem>> -> memref<128xf32, #tpu.memory_space<vmem>>
      %dma_start3A_96 = arith.constant 0 : i32
      %dma_start3A_97 = tpu.memref_slice %arg6[%dma_start3A_92, %dma_start3A_96] : memref<8x128xi32, #tpu.memory_space<vmem>> -> memref<1x128xi32, #tpu.memory_space<vmem>>
      %dma_start3A_98 = tpu.memref_squeeze %dma_start3A_97 : memref<1x128xi32, #tpu.memory_space<vmem>> -> memref<128xi32, #tpu.memory_space<vmem>>
      %dma_start3A_99 = arith.constant 0 : i32
      %dma_start3A_100 = tpu.memref_slice %arg14[%dma_start3A_99] : memref<481280xf32, #tpu.memory_space<vmem_shared>> -> memref<481280xf32, #tpu.memory_space<vmem_shared>>
      tpu.enqueue_indirect_dma source(%dma_start3A_95 : memref<128xf32, #tpu.memory_space<vmem>>) target(%dma_start3A_100 : memref<481280xf32, #tpu.memory_space<vmem_shared>>) offsets(%dma_start3A_98 : memref<128xi32, #tpu.memory_space<vmem>>) semaphore(%arg15 : memref<!tpu.dma_semaphore, #tpu.memory_space<semaphore_mem>>)
      %dma_start3A_101 = arith.constant 4 : i32
      %dma_start3A_102 = arith.constant 4 : i32
      %dma_start3A_103 = arith.constant 0 : i32
      %dma_start3A_104 = tpu.memref_slice %arg8[%dma_start3A_101, %dma_start3A_103] : memref<8x128xf32, #tpu.memory_space<vmem>> -> memref<1x128xf32, #tpu.memory_space<vmem>>
      %dma_start3A_105 = tpu.memref_squeeze %dma_start3A_104 : memref<1x128xf32, #tpu.memory_space<vmem>> -> memref<128xf32, #tpu.memory_space<vmem>>
      %dma_start3A_106 = arith.constant 0 : i32
      %dma_start3A_107 = tpu.memref_slice %arg6[%dma_start3A_102, %dma_start3A_106] : memref<8x128xi32, #tpu.memory_space<vmem>> -> memref<1x128xi32, #tpu.memory_space<vmem>>
      %dma_start3A_108 = tpu.memref_squeeze %dma_start3A_107 : memref<1x128xi32, #tpu.memory_space<vmem>> -> memref<128xi32, #tpu.memory_space<vmem>>
      %dma_start3A_109 = arith.constant 0 : i32
      %dma_start3A_110 = tpu.memref_slice %arg13[%dma_start3A_109] : memref<481280xf32, #tpu.memory_space<vmem_shared>> -> memref<481280xf32, #tpu.memory_space<vmem_shared>>
      tpu.enqueue_indirect_dma source(%dma_start3A_105 : memref<128xf32, #tpu.memory_space<vmem>>) target(%dma_start3A_110 : memref<481280xf32, #tpu.memory_space<vmem_shared>>) offsets(%dma_start3A_108 : memref<128xi32, #tpu.memory_space<vmem>>) semaphore(%arg15 : memref<!tpu.dma_semaphore, #tpu.memory_space<semaphore_mem>>)
      %dma_start3A_111 = arith.constant 4 : i32
      %dma_start3A_112 = arith.constant 4 : i32
      %dma_start3A_113 = arith.constant 0 : i32
      %dma_start3A_114 = tpu.memref_slice %arg9[%dma_start3A_111, %dma_start3A_113] : memref<8x128xf32, #tpu.memory_space<vmem>> -> memref<1x128xf32, #tpu.memory_space<vmem>>
      %dma_start3A_115 = tpu.memref_squeeze %dma_start3A_114 : memref<1x128xf32, #tpu.memory_space<vmem>> -> memref<128xf32, #tpu.memory_space<vmem>>
      %dma_start3A_116 = arith.constant 0 : i32
      %dma_start3A_117 = tpu.memref_slice %arg6[%dma_start3A_112, %dma_start3A_116] : memref<8x128xi32, #tpu.memory_space<vmem>> -> memref<1x128xi32, #tpu.memory_space<vmem>>
      %dma_start3A_118 = tpu.memref_squeeze %dma_start3A_117 : memref<1x128xi32, #tpu.memory_space<vmem>> -> memref<128xi32, #tpu.memory_space<vmem>>
      %dma_start3A_119 = arith.constant 0 : i32
      %dma_start3A_120 = tpu.memref_slice %arg14[%dma_start3A_119] : memref<481280xf32, #tpu.memory_space<vmem_shared>> -> memref<481280xf32, #tpu.memory_space<vmem_shared>>
      tpu.enqueue_indirect_dma source(%dma_start3A_115 : memref<128xf32, #tpu.memory_space<vmem>>) target(%dma_start3A_120 : memref<481280xf32, #tpu.memory_space<vmem_shared>>) offsets(%dma_start3A_118 : memref<128xi32, #tpu.memory_space<vmem>>) semaphore(%arg15 : memref<!tpu.dma_semaphore, #tpu.memory_space<semaphore_mem>>)
      %dma_start3A_121 = arith.constant 5 : i32
      %dma_start3A_122 = arith.constant 5 : i32
      %dma_start3A_123 = arith.constant 0 : i32
      %dma_start3A_124 = tpu.memref_slice %arg8[%dma_start3A_121, %dma_start3A_123] : memref<8x128xf32, #tpu.memory_space<vmem>> -> memref<1x128xf32, #tpu.memory_space<vmem>>
      %dma_start3A_125 = tpu.memref_squeeze %dma_start3A_124 : memref<1x128xf32, #tpu.memory_space<vmem>> -> memref<128xf32, #tpu.memory_space<vmem>>
      %dma_start3A_126 = arith.constant 0 : i32
      %dma_start3A_127 = tpu.memref_slice %arg6[%dma_start3A_122, %dma_start3A_126] : memref<8x128xi32, #tpu.memory_space<vmem>> -> memref<1x128xi32, #tpu.memory_space<vmem>>
      %dma_start3A_128 = tpu.memref_squeeze %dma_start3A_127 : memref<1x128xi32, #tpu.memory_space<vmem>> -> memref<128xi32, #tpu.memory_space<vmem>>
      %dma_start3A_129 = arith.constant 0 : i32
      %dma_start3A_130 = tpu.memref_slice %arg13[%dma_start3A_129] : memref<481280xf32, #tpu.memory_space<vmem_shared>> -> memref<481280xf32, #tpu.memory_space<vmem_shared>>
      tpu.enqueue_indirect_dma source(%dma_start3A_125 : memref<128xf32, #tpu.memory_space<vmem>>) target(%dma_start3A_130 : memref<481280xf32, #tpu.memory_space<vmem_shared>>) offsets(%dma_start3A_128 : memref<128xi32, #tpu.memory_space<vmem>>) semaphore(%arg15 : memref<!tpu.dma_semaphore, #tpu.memory_space<semaphore_mem>>)
      %dma_start3A_131 = arith.constant 5 : i32
      %dma_start3A_132 = arith.constant 5 : i32
      %dma_start3A_133 = arith.constant 0 : i32
      %dma_start3A_134 = tpu.memref_slice %arg9[%dma_start3A_131, %dma_start3A_133] : memref<8x128xf32, #tpu.memory_space<vmem>> -> memref<1x128xf32, #tpu.memory_space<vmem>>
      %dma_start3A_135 = tpu.memref_squeeze %dma_start3A_134 : memref<1x128xf32, #tpu.memory_space<vmem>> -> memref<128xf32, #tpu.memory_space<vmem>>
      %dma_start3A_136 = arith.constant 0 : i32
      %dma_start3A_137 = tpu.memref_slice %arg6[%dma_start3A_132, %dma_start3A_136] : memref<8x128xi32, #tpu.memory_space<vmem>> -> memref<1x128xi32, #tpu.memory_space<vmem>>
      %dma_start3A_138 = tpu.memref_squeeze %dma_start3A_137 : memref<1x128xi32, #tpu.memory_space<vmem>> -> memref<128xi32, #tpu.memory_space<vmem>>
      %dma_start3A_139 = arith.constant 0 : i32
      %dma_start3A_140 = tpu.memref_slice %arg14[%dma_start3A_139] : memref<481280xf32, #tpu.memory_space<vmem_shared>> -> memref<481280xf32, #tpu.memory_space<vmem_shared>>
      tpu.enqueue_indirect_dma source(%dma_start3A_135 : memref<128xf32, #tpu.memory_space<vmem>>) target(%dma_start3A_140 : memref<481280xf32, #tpu.memory_space<vmem_shared>>) offsets(%dma_start3A_138 : memref<128xi32, #tpu.memory_space<vmem>>) semaphore(%arg15 : memref<!tpu.dma_semaphore, #tpu.memory_space<semaphore_mem>>)
      %dma_start3A_141 = arith.constant 6 : i32
      %dma_start3A_142 = arith.constant 6 : i32
      %dma_start3A_143 = arith.constant 0 : i32
      %dma_start3A_144 = tpu.memref_slice %arg8[%dma_start3A_141, %dma_start3A_143] : memref<8x128xf32, #tpu.memory_space<vmem>> -> memref<1x128xf32, #tpu.memory_space<vmem>>
      %dma_start3A_145 = tpu.memref_squeeze %dma_start3A_144 : memref<1x128xf32, #tpu.memory_space<vmem>> -> memref<128xf32, #tpu.memory_space<vmem>>
      %dma_start3A_146 = arith.constant 0 : i32
      %dma_start3A_147 = tpu.memref_slice %arg6[%dma_start3A_142, %dma_start3A_146] : memref<8x128xi32, #tpu.memory_space<vmem>> -> memref<1x128xi32, #tpu.memory_space<vmem>>
      %dma_start3A_148 = tpu.memref_squeeze %dma_start3A_147 : memref<1x128xi32, #tpu.memory_space<vmem>> -> memref<128xi32, #tpu.memory_space<vmem>>
      %dma_start3A_149 = arith.constant 0 : i32
      %dma_start3A_150 = tpu.memref_slice %arg13[%dma_start3A_149] : memref<481280xf32, #tpu.memory_space<vmem_shared>> -> memref<481280xf32, #tpu.memory_space<vmem_shared>>
      tpu.enqueue_indirect_dma source(%dma_start3A_145 : memref<128xf32, #tpu.memory_space<vmem>>) target(%dma_start3A_150 : memref<481280xf32, #tpu.memory_space<vmem_shared>>) offsets(%dma_start3A_148 : memref<128xi32, #tpu.memory_space<vmem>>) semaphore(%arg15 : memref<!tpu.dma_semaphore, #tpu.memory_space<semaphore_mem>>)
      %dma_start3A_151 = arith.constant 6 : i32
      %dma_start3A_152 = arith.constant 6 : i32
      %dma_start3A_153 = arith.constant 0 : i32
      %dma_start3A_154 = tpu.memref_slice %arg9[%dma_start3A_151, %dma_start3A_153] : memref<8x128xf32, #tpu.memory_space<vmem>> -> memref<1x128xf32, #tpu.memory_space<vmem>>
      %dma_start3A_155 = tpu.memref_squeeze %dma_start3A_154 : memref<1x128xf32, #tpu.memory_space<vmem>> -> memref<128xf32, #tpu.memory_space<vmem>>
      %dma_start3A_156 = arith.constant 0 : i32
      %dma_start3A_157 = tpu.memref_slice %arg6[%dma_start3A_152, %dma_start3A_156] : memref<8x128xi32, #tpu.memory_space<vmem>> -> memref<1x128xi32, #tpu.memory_space<vmem>>
      %dma_start3A_158 = tpu.memref_squeeze %dma_start3A_157 : memref<1x128xi32, #tpu.memory_space<vmem>> -> memref<128xi32, #tpu.memory_space<vmem>>
      %dma_start3A_159 = arith.constant 0 : i32
      %dma_start3A_160 = tpu.memref_slice %arg14[%dma_start3A_159] : memref<481280xf32, #tpu.memory_space<vmem_shared>> -> memref<481280xf32, #tpu.memory_space<vmem_shared>>
      tpu.enqueue_indirect_dma source(%dma_start3A_155 : memref<128xf32, #tpu.memory_space<vmem>>) target(%dma_start3A_160 : memref<481280xf32, #tpu.memory_space<vmem_shared>>) offsets(%dma_start3A_158 : memref<128xi32, #tpu.memory_space<vmem>>) semaphore(%arg15 : memref<!tpu.dma_semaphore, #tpu.memory_space<semaphore_mem>>)
      %dma_start3A_161 = arith.constant 7 : i32
      %dma_start3A_162 = arith.constant 7 : i32
      %dma_start3A_163 = arith.constant 0 : i32
      %dma_start3A_164 = tpu.memref_slice %arg8[%dma_start3A_161, %dma_start3A_163] : memref<8x128xf32, #tpu.memory_space<vmem>> -> memref<1x128xf32, #tpu.memory_space<vmem>>
      %dma_start3A_165 = tpu.memref_squeeze %dma_start3A_164 : memref<1x128xf32, #tpu.memory_space<vmem>> -> memref<128xf32, #tpu.memory_space<vmem>>
      %dma_start3A_166 = arith.constant 0 : i32
      %dma_start3A_167 = tpu.memref_slice %arg6[%dma_start3A_162, %dma_start3A_166] : memref<8x128xi32, #tpu.memory_space<vmem>> -> memref<1x128xi32, #tpu.memory_space<vmem>>
      %dma_start3A_168 = tpu.memref_squeeze %dma_start3A_167 : memref<1x128xi32, #tpu.memory_space<vmem>> -> memref<128xi32, #tpu.memory_space<vmem>>
      %dma_start3A_169 = arith.constant 0 : i32
      %dma_start3A_170 = tpu.memref_slice %arg13[%dma_start3A_169] : memref<481280xf32, #tpu.memory_space<vmem_shared>> -> memref<481280xf32, #tpu.memory_space<vmem_shared>>
      tpu.enqueue_indirect_dma source(%dma_start3A_165 : memref<128xf32, #tpu.memory_space<vmem>>) target(%dma_start3A_170 : memref<481280xf32, #tpu.memory_space<vmem_shared>>) offsets(%dma_start3A_168 : memref<128xi32, #tpu.memory_space<vmem>>) semaphore(%arg15 : memref<!tpu.dma_semaphore, #tpu.memory_space<semaphore_mem>>)
      %dma_start3A_171 = arith.constant 7 : i32
      %dma_start3A_172 = arith.constant 7 : i32
      %dma_start3A_173 = arith.constant 0 : i32
      %dma_start3A_174 = tpu.memref_slice %arg9[%dma_start3A_171, %dma_start3A_173] : memref<8x128xf32, #tpu.memory_space<vmem>> -> memref<1x128xf32, #tpu.memory_space<vmem>>
      %dma_start3A_175 = tpu.memref_squeeze %dma_start3A_174 : memref<1x128xf32, #tpu.memory_space<vmem>> -> memref<128xf32, #tpu.memory_space<vmem>>
      %dma_start3A_176 = arith.constant 0 : i32
      %dma_start3A_177 = tpu.memref_slice %arg6[%dma_start3A_172, %dma_start3A_176] : memref<8x128xi32, #tpu.memory_space<vmem>> -> memref<1x128xi32, #tpu.memory_space<vmem>>
      %dma_start3A_178 = tpu.memref_squeeze %dma_start3A_177 : memref<1x128xi32, #tpu.memory_space<vmem>> -> memref<128xi32, #tpu.memory_space<vmem>>
      %dma_start3A_179 = arith.constant 0 : i32
      %dma_start3A_180 = tpu.memref_slice %arg14[%dma_start3A_179] : memref<481280xf32, #tpu.memory_space<vmem_shared>> -> memref<481280xf32, #tpu.memory_space<vmem_shared>>
      tpu.enqueue_indirect_dma source(%dma_start3A_175 : memref<128xf32, #tpu.memory_space<vmem>>) target(%dma_start3A_180 : memref<481280xf32, #tpu.memory_space<vmem_shared>>) offsets(%dma_start3A_178 : memref<128xi32, #tpu.memory_space<vmem>>) semaphore(%arg15 : memref<!tpu.dma_semaphore, #tpu.memory_space<semaphore_mem>>)
      %dma_wait3A = arith.constant 0 : i32
      %dma_wait3A_181 = arith.constant 0 : i32
      %dma_wait3A_182 = arith.constant 0 : i32
      %dma_wait3A_183 = tpu.memref_slice %arg8[%dma_wait3A, %dma_wait3A_182] : memref<8x128xf32, #tpu.memory_space<vmem>> -> memref<1x128xf32, #tpu.memory_space<vmem>>
      %dma_wait3A_184 = tpu.memref_squeeze %dma_wait3A_183 : memref<1x128xf32, #tpu.memory_space<vmem>> -> memref<128xf32, #tpu.memory_space<vmem>>
      %dma_wait3A_185 = arith.constant 0 : i32
      %dma_wait3A_186 = tpu.memref_slice %arg6[%dma_wait3A_181, %dma_wait3A_185] : memref<8x128xi32, #tpu.memory_space<vmem>> -> memref<1x128xi32, #tpu.memory_space<vmem>>
      %dma_wait3A_187 = tpu.memref_squeeze %dma_wait3A_186 : memref<1x128xi32, #tpu.memory_space<vmem>> -> memref<128xi32, #tpu.memory_space<vmem>>
      %dma_wait3A_188 = arith.constant 0 : i32
      %dma_wait3A_189 = tpu.memref_slice %arg13[%dma_wait3A_188] : memref<481280xf32, #tpu.memory_space<vmem_shared>> -> memref<481280xf32, #tpu.memory_space<vmem_shared>>
      tpu.wait_indirect_dma semaphore(%arg15 : memref<!tpu.dma_semaphore, #tpu.memory_space<semaphore_mem>>) src(%dma_wait3A_184 : memref<128xf32, #tpu.memory_space<vmem>>) dst(%dma_wait3A_189 : memref<481280xf32, #tpu.memory_space<vmem_shared>>)
      %dma_wait3A_190 = arith.constant 0 : i32
      %dma_wait3A_191 = arith.constant 0 : i32
      %dma_wait3A_192 = arith.constant 0 : i32
      %dma_wait3A_193 = tpu.memref_slice %arg9[%dma_wait3A_190, %dma_wait3A_192] : memref<8x128xf32, #tpu.memory_space<vmem>> -> memref<1x128xf32, #tpu.memory_space<vmem>>
      %dma_wait3A_194 = tpu.memref_squeeze %dma_wait3A_193 : memref<1x128xf32, #tpu.memory_space<vmem>> -> memref<128xf32, #tpu.memory_space<vmem>>
      %dma_wait3A_195 = arith.constant 0 : i32
      %dma_wait3A_196 = tpu.memref_slice %arg6[%dma_wait3A_191, %dma_wait3A_195] : memref<8x128xi32, #tpu.memory_space<vmem>> -> memref<1x128xi32, #tpu.memory_space<vmem>>
      %dma_wait3A_197 = tpu.memref_squeeze %dma_wait3A_196 : memref<1x128xi32, #tpu.memory_space<vmem>> -> memref<128xi32, #tpu.memory_space<vmem>>
      %dma_wait3A_198 = arith.constant 0 : i32
      %dma_wait3A_199 = tpu.memref_slice %arg14[%dma_wait3A_198] : memref<481280xf32, #tpu.memory_space<vmem_shared>> -> memref<481280xf32, #tpu.memory_space<vmem_shared>>
      tpu.wait_indirect_dma semaphore(%arg15 : memref<!tpu.dma_semaphore, #tpu.memory_space<semaphore_mem>>) src(%dma_wait3A_194 : memref<128xf32, #tpu.memory_space<vmem>>) dst(%dma_wait3A_199 : memref<481280xf32, #tpu.memory_space<vmem_shared>>)
      %dma_wait3A_200 = arith.constant 1 : i32
      %dma_wait3A_201 = arith.constant 1 : i32
      %dma_wait3A_202 = arith.constant 0 : i32
      %dma_wait3A_203 = tpu.memref_slice %arg8[%dma_wait3A_200, %dma_wait3A_202] : memref<8x128xf32, #tpu.memory_space<vmem>> -> memref<1x128xf32, #tpu.memory_space<vmem>>
      %dma_wait3A_204 = tpu.memref_squeeze %dma_wait3A_203 : memref<1x128xf32, #tpu.memory_space<vmem>> -> memref<128xf32, #tpu.memory_space<vmem>>
      %dma_wait3A_205 = arith.constant 0 : i32
      %dma_wait3A_206 = tpu.memref_slice %arg6[%dma_wait3A_201, %dma_wait3A_205] : memref<8x128xi32, #tpu.memory_space<vmem>> -> memref<1x128xi32, #tpu.memory_space<vmem>>
      %dma_wait3A_207 = tpu.memref_squeeze %dma_wait3A_206 : memref<1x128xi32, #tpu.memory_space<vmem>> -> memref<128xi32, #tpu.memory_space<vmem>>
      %dma_wait3A_208 = arith.constant 0 : i32
      %dma_wait3A_209 = tpu.memref_slice %arg13[%dma_wait3A_208] : memref<481280xf32, #tpu.memory_space<vmem_shared>> -> memref<481280xf32, #tpu.memory_space<vmem_shared>>
      tpu.wait_indirect_dma semaphore(%arg15 : memref<!tpu.dma_semaphore, #tpu.memory_space<semaphore_mem>>) src(%dma_wait3A_204 : memref<128xf32, #tpu.memory_space<vmem>>) dst(%dma_wait3A_209 : memref<481280xf32, #tpu.memory_space<vmem_shared>>)
      %dma_wait3A_210 = arith.constant 1 : i32
      %dma_wait3A_211 = arith.constant 1 : i32
      %dma_wait3A_212 = arith.constant 0 : i32
      %dma_wait3A_213 = tpu.memref_slice %arg9[%dma_wait3A_210, %dma_wait3A_212] : memref<8x128xf32, #tpu.memory_space<vmem>> -> memref<1x128xf32, #tpu.memory_space<vmem>>
      %dma_wait3A_214 = tpu.memref_squeeze %dma_wait3A_213 : memref<1x128xf32, #tpu.memory_space<vmem>> -> memref<128xf32, #tpu.memory_space<vmem>>
      %dma_wait3A_215 = arith.constant 0 : i32
      %dma_wait3A_216 = tpu.memref_slice %arg6[%dma_wait3A_211, %dma_wait3A_215] : memref<8x128xi32, #tpu.memory_space<vmem>> -> memref<1x128xi32, #tpu.memory_space<vmem>>
      %dma_wait3A_217 = tpu.memref_squeeze %dma_wait3A_216 : memref<1x128xi32, #tpu.memory_space<vmem>> -> memref<128xi32, #tpu.memory_space<vmem>>
      %dma_wait3A_218 = arith.constant 0 : i32
      %dma_wait3A_219 = tpu.memref_slice %arg14[%dma_wait3A_218] : memref<481280xf32, #tpu.memory_space<vmem_shared>> -> memref<481280xf32, #tpu.memory_space<vmem_shared>>
      tpu.wait_indirect_dma semaphore(%arg15 : memref<!tpu.dma_semaphore, #tpu.memory_space<semaphore_mem>>) src(%dma_wait3A_214 : memref<128xf32, #tpu.memory_space<vmem>>) dst(%dma_wait3A_219 : memref<481280xf32, #tpu.memory_space<vmem_shared>>)
      %dma_wait3A_220 = arith.constant 2 : i32
      %dma_wait3A_221 = arith.constant 2 : i32
      %dma_wait3A_222 = arith.constant 0 : i32
      %dma_wait3A_223 = tpu.memref_slice %arg8[%dma_wait3A_220, %dma_wait3A_222] : memref<8x128xf32, #tpu.memory_space<vmem>> -> memref<1x128xf32, #tpu.memory_space<vmem>>
      %dma_wait3A_224 = tpu.memref_squeeze %dma_wait3A_223 : memref<1x128xf32, #tpu.memory_space<vmem>> -> memref<128xf32, #tpu.memory_space<vmem>>
      %dma_wait3A_225 = arith.constant 0 : i32
      %dma_wait3A_226 = tpu.memref_slice %arg6[%dma_wait3A_221, %dma_wait3A_225] : memref<8x128xi32, #tpu.memory_space<vmem>> -> memref<1x128xi32, #tpu.memory_space<vmem>>
      %dma_wait3A_227 = tpu.memref_squeeze %dma_wait3A_226 : memref<1x128xi32, #tpu.memory_space<vmem>> -> memref<128xi32, #tpu.memory_space<vmem>>
      %dma_wait3A_228 = arith.constant 0 : i32
      %dma_wait3A_229 = tpu.memref_slice %arg13[%dma_wait3A_228] : memref<481280xf32, #tpu.memory_space<vmem_shared>> -> memref<481280xf32, #tpu.memory_space<vmem_shared>>
      tpu.wait_indirect_dma semaphore(%arg15 : memref<!tpu.dma_semaphore, #tpu.memory_space<semaphore_mem>>) src(%dma_wait3A_224 : memref<128xf32, #tpu.memory_space<vmem>>) dst(%dma_wait3A_229 : memref<481280xf32, #tpu.memory_space<vmem_shared>>)
      %dma_wait3A_230 = arith.constant 2 : i32
      %dma_wait3A_231 = arith.constant 2 : i32
      %dma_wait3A_232 = arith.constant 0 : i32
      %dma_wait3A_233 = tpu.memref_slice %arg9[%dma_wait3A_230, %dma_wait3A_232] : memref<8x128xf32, #tpu.memory_space<vmem>> -> memref<1x128xf32, #tpu.memory_space<vmem>>
      %dma_wait3A_234 = tpu.memref_squeeze %dma_wait3A_233 : memref<1x128xf32, #tpu.memory_space<vmem>> -> memref<128xf32, #tpu.memory_space<vmem>>
      %dma_wait3A_235 = arith.constant 0 : i32
      %dma_wait3A_236 = tpu.memref_slice %arg6[%dma_wait3A_231, %dma_wait3A_235] : memref<8x128xi32, #tpu.memory_space<vmem>> -> memref<1x128xi32, #tpu.memory_space<vmem>>
      %dma_wait3A_237 = tpu.memref_squeeze %dma_wait3A_236 : memref<1x128xi32, #tpu.memory_space<vmem>> -> memref<128xi32, #tpu.memory_space<vmem>>
      %dma_wait3A_238 = arith.constant 0 : i32
      %dma_wait3A_239 = tpu.memref_slice %arg14[%dma_wait3A_238] : memref<481280xf32, #tpu.memory_space<vmem_shared>> -> memref<481280xf32, #tpu.memory_space<vmem_shared>>
      tpu.wait_indirect_dma semaphore(%arg15 : memref<!tpu.dma_semaphore, #tpu.memory_space<semaphore_mem>>) src(%dma_wait3A_234 : memref<128xf32, #tpu.memory_space<vmem>>) dst(%dma_wait3A_239 : memref<481280xf32, #tpu.memory_space<vmem_shared>>)
      %dma_wait3A_240 = arith.constant 3 : i32
      %dma_wait3A_241 = arith.constant 3 : i32
      %dma_wait3A_242 = arith.constant 0 : i32
      %dma_wait3A_243 = tpu.memref_slice %arg8[%dma_wait3A_240, %dma_wait3A_242] : memref<8x128xf32, #tpu.memory_space<vmem>> -> memref<1x128xf32, #tpu.memory_space<vmem>>
      %dma_wait3A_244 = tpu.memref_squeeze %dma_wait3A_243 : memref<1x128xf32, #tpu.memory_space<vmem>> -> memref<128xf32, #tpu.memory_space<vmem>>
      %dma_wait3A_245 = arith.constant 0 : i32
      %dma_wait3A_246 = tpu.memref_slice %arg6[%dma_wait3A_241, %dma_wait3A_245] : memref<8x128xi32, #tpu.memory_space<vmem>> -> memref<1x128xi32, #tpu.memory_space<vmem>>
      %dma_wait3A_247 = tpu.memref_squeeze %dma_wait3A_246 : memref<1x128xi32, #tpu.memory_space<vmem>> -> memref<128xi32, #tpu.memory_space<vmem>>
      %dma_wait3A_248 = arith.constant 0 : i32
      %dma_wait3A_249 = tpu.memref_slice %arg13[%dma_wait3A_248] : memref<481280xf32, #tpu.memory_space<vmem_shared>> -> memref<481280xf32, #tpu.memory_space<vmem_shared>>
      tpu.wait_indirect_dma semaphore(%arg15 : memref<!tpu.dma_semaphore, #tpu.memory_space<semaphore_mem>>) src(%dma_wait3A_244 : memref<128xf32, #tpu.memory_space<vmem>>) dst(%dma_wait3A_249 : memref<481280xf32, #tpu.memory_space<vmem_shared>>)
      %dma_wait3A_250 = arith.constant 3 : i32
      %dma_wait3A_251 = arith.constant 3 : i32
      %dma_wait3A_252 = arith.constant 0 : i32
      %dma_wait3A_253 = tpu.memref_slice %arg9[%dma_wait3A_250, %dma_wait3A_252] : memref<8x128xf32, #tpu.memory_space<vmem>> -> memref<1x128xf32, #tpu.memory_space<vmem>>
      %dma_wait3A_254 = tpu.memref_squeeze %dma_wait3A_253 : memref<1x128xf32, #tpu.memory_space<vmem>> -> memref<128xf32, #tpu.memory_space<vmem>>
      %dma_wait3A_255 = arith.constant 0 : i32
      %dma_wait3A_256 = tpu.memref_slice %arg6[%dma_wait3A_251, %dma_wait3A_255] : memref<8x128xi32, #tpu.memory_space<vmem>> -> memref<1x128xi32, #tpu.memory_space<vmem>>
      %dma_wait3A_257 = tpu.memref_squeeze %dma_wait3A_256 : memref<1x128xi32, #tpu.memory_space<vmem>> -> memref<128xi32, #tpu.memory_space<vmem>>
      %dma_wait3A_258 = arith.constant 0 : i32
      %dma_wait3A_259 = tpu.memref_slice %arg14[%dma_wait3A_258] : memref<481280xf32, #tpu.memory_space<vmem_shared>> -> memref<481280xf32, #tpu.memory_space<vmem_shared>>
      tpu.wait_indirect_dma semaphore(%arg15 : memref<!tpu.dma_semaphore, #tpu.memory_space<semaphore_mem>>) src(%dma_wait3A_254 : memref<128xf32, #tpu.memory_space<vmem>>) dst(%dma_wait3A_259 : memref<481280xf32, #tpu.memory_space<vmem_shared>>)
      %dma_wait3A_260 = arith.constant 4 : i32
      %dma_wait3A_261 = arith.constant 4 : i32
      %dma_wait3A_262 = arith.constant 0 : i32
      %dma_wait3A_263 = tpu.memref_slice %arg8[%dma_wait3A_260, %dma_wait3A_262] : memref<8x128xf32, #tpu.memory_space<vmem>> -> memref<1x128xf32, #tpu.memory_space<vmem>>
      %dma_wait3A_264 = tpu.memref_squeeze %dma_wait3A_263 : memref<1x128xf32, #tpu.memory_space<vmem>> -> memref<128xf32, #tpu.memory_space<vmem>>
      %dma_wait3A_265 = arith.constant 0 : i32
      %dma_wait3A_266 = tpu.memref_slice %arg6[%dma_wait3A_261, %dma_wait3A_265] : memref<8x128xi32, #tpu.memory_space<vmem>> -> memref<1x128xi32, #tpu.memory_space<vmem>>
      %dma_wait3A_267 = tpu.memref_squeeze %dma_wait3A_266 : memref<1x128xi32, #tpu.memory_space<vmem>> -> memref<128xi32, #tpu.memory_space<vmem>>
      %dma_wait3A_268 = arith.constant 0 : i32
      %dma_wait3A_269 = tpu.memref_slice %arg13[%dma_wait3A_268] : memref<481280xf32, #tpu.memory_space<vmem_shared>> -> memref<481280xf32, #tpu.memory_space<vmem_shared>>
      tpu.wait_indirect_dma semaphore(%arg15 : memref<!tpu.dma_semaphore, #tpu.memory_space<semaphore_mem>>) src(%dma_wait3A_264 : memref<128xf32, #tpu.memory_space<vmem>>) dst(%dma_wait3A_269 : memref<481280xf32, #tpu.memory_space<vmem_shared>>)
      %dma_wait3A_270 = arith.constant 4 : i32
      %dma_wait3A_271 = arith.constant 4 : i32
      %dma_wait3A_272 = arith.constant 0 : i32
      %dma_wait3A_273 = tpu.memref_slice %arg9[%dma_wait3A_270, %dma_wait3A_272] : memref<8x128xf32, #tpu.memory_space<vmem>> -> memref<1x128xf32, #tpu.memory_space<vmem>>
      %dma_wait3A_274 = tpu.memref_squeeze %dma_wait3A_273 : memref<1x128xf32, #tpu.memory_space<vmem>> -> memref<128xf32, #tpu.memory_space<vmem>>
      %dma_wait3A_275 = arith.constant 0 : i32
      %dma_wait3A_276 = tpu.memref_slice %arg6[%dma_wait3A_271, %dma_wait3A_275] : memref<8x128xi32, #tpu.memory_space<vmem>> -> memref<1x128xi32, #tpu.memory_space<vmem>>
      %dma_wait3A_277 = tpu.memref_squeeze %dma_wait3A_276 : memref<1x128xi32, #tpu.memory_space<vmem>> -> memref<128xi32, #tpu.memory_space<vmem>>
      %dma_wait3A_278 = arith.constant 0 : i32
      %dma_wait3A_279 = tpu.memref_slice %arg14[%dma_wait3A_278] : memref<481280xf32, #tpu.memory_space<vmem_shared>> -> memref<481280xf32, #tpu.memory_space<vmem_shared>>
      tpu.wait_indirect_dma semaphore(%arg15 : memref<!tpu.dma_semaphore, #tpu.memory_space<semaphore_mem>>) src(%dma_wait3A_274 : memref<128xf32, #tpu.memory_space<vmem>>) dst(%dma_wait3A_279 : memref<481280xf32, #tpu.memory_space<vmem_shared>>)
      %dma_wait3A_280 = arith.constant 5 : i32
      %dma_wait3A_281 = arith.constant 5 : i32
      %dma_wait3A_282 = arith.constant 0 : i32
      %dma_wait3A_283 = tpu.memref_slice %arg8[%dma_wait3A_280, %dma_wait3A_282] : memref<8x128xf32, #tpu.memory_space<vmem>> -> memref<1x128xf32, #tpu.memory_space<vmem>>
      %dma_wait3A_284 = tpu.memref_squeeze %dma_wait3A_283 : memref<1x128xf32, #tpu.memory_space<vmem>> -> memref<128xf32, #tpu.memory_space<vmem>>
      %dma_wait3A_285 = arith.constant 0 : i32
      %dma_wait3A_286 = tpu.memref_slice %arg6[%dma_wait3A_281, %dma_wait3A_285] : memref<8x128xi32, #tpu.memory_space<vmem>> -> memref<1x128xi32, #tpu.memory_space<vmem>>
      %dma_wait3A_287 = tpu.memref_squeeze %dma_wait3A_286 : memref<1x128xi32, #tpu.memory_space<vmem>> -> memref<128xi32, #tpu.memory_space<vmem>>
      %dma_wait3A_288 = arith.constant 0 : i32
      %dma_wait3A_289 = tpu.memref_slice %arg13[%dma_wait3A_288] : memref<481280xf32, #tpu.memory_space<vmem_shared>> -> memref<481280xf32, #tpu.memory_space<vmem_shared>>
      tpu.wait_indirect_dma semaphore(%arg15 : memref<!tpu.dma_semaphore, #tpu.memory_space<semaphore_mem>>) src(%dma_wait3A_284 : memref<128xf32, #tpu.memory_space<vmem>>) dst(%dma_wait3A_289 : memref<481280xf32, #tpu.memory_space<vmem_shared>>)
      %dma_wait3A_290 = arith.constant 5 : i32
      %dma_wait3A_291 = arith.constant 5 : i32
      %dma_wait3A_292 = arith.constant 0 : i32
      %dma_wait3A_293 = tpu.memref_slice %arg9[%dma_wait3A_290, %dma_wait3A_292] : memref<8x128xf32, #tpu.memory_space<vmem>> -> memref<1x128xf32, #tpu.memory_space<vmem>>
      %dma_wait3A_294 = tpu.memref_squeeze %dma_wait3A_293 : memref<1x128xf32, #tpu.memory_space<vmem>> -> memref<128xf32, #tpu.memory_space<vmem>>
      %dma_wait3A_295 = arith.constant 0 : i32
      %dma_wait3A_296 = tpu.memref_slice %arg6[%dma_wait3A_291, %dma_wait3A_295] : memref<8x128xi32, #tpu.memory_space<vmem>> -> memref<1x128xi32, #tpu.memory_space<vmem>>
      %dma_wait3A_297 = tpu.memref_squeeze %dma_wait3A_296 : memref<1x128xi32, #tpu.memory_space<vmem>> -> memref<128xi32, #tpu.memory_space<vmem>>
      %dma_wait3A_298 = arith.constant 0 : i32
      %dma_wait3A_299 = tpu.memref_slice %arg14[%dma_wait3A_298] : memref<481280xf32, #tpu.memory_space<vmem_shared>> -> memref<481280xf32, #tpu.memory_space<vmem_shared>>
      tpu.wait_indirect_dma semaphore(%arg15 : memref<!tpu.dma_semaphore, #tpu.memory_space<semaphore_mem>>) src(%dma_wait3A_294 : memref<128xf32, #tpu.memory_space<vmem>>) dst(%dma_wait3A_299 : memref<481280xf32, #tpu.memory_space<vmem_shared>>)
      %dma_wait3A_300 = arith.constant 6 : i32
      %dma_wait3A_301 = arith.constant 6 : i32
      %dma_wait3A_302 = arith.constant 0 : i32
      %dma_wait3A_303 = tpu.memref_slice %arg8[%dma_wait3A_300, %dma_wait3A_302] : memref<8x128xf32, #tpu.memory_space<vmem>> -> memref<1x128xf32, #tpu.memory_space<vmem>>
      %dma_wait3A_304 = tpu.memref_squeeze %dma_wait3A_303 : memref<1x128xf32, #tpu.memory_space<vmem>> -> memref<128xf32, #tpu.memory_space<vmem>>
      %dma_wait3A_305 = arith.constant 0 : i32
      %dma_wait3A_306 = tpu.memref_slice %arg6[%dma_wait3A_301, %dma_wait3A_305] : memref<8x128xi32, #tpu.memory_space<vmem>> -> memref<1x128xi32, #tpu.memory_space<vmem>>
      %dma_wait3A_307 = tpu.memref_squeeze %dma_wait3A_306 : memref<1x128xi32, #tpu.memory_space<vmem>> -> memref<128xi32, #tpu.memory_space<vmem>>
      %dma_wait3A_308 = arith.constant 0 : i32
      %dma_wait3A_309 = tpu.memref_slice %arg13[%dma_wait3A_308] : memref<481280xf32, #tpu.memory_space<vmem_shared>> -> memref<481280xf32, #tpu.memory_space<vmem_shared>>
      tpu.wait_indirect_dma semaphore(%arg15 : memref<!tpu.dma_semaphore, #tpu.memory_space<semaphore_mem>>) src(%dma_wait3A_304 : memref<128xf32, #tpu.memory_space<vmem>>) dst(%dma_wait3A_309 : memref<481280xf32, #tpu.memory_space<vmem_shared>>)
      %dma_wait3A_310 = arith.constant 6 : i32
      %dma_wait3A_311 = arith.constant 6 : i32
      %dma_wait3A_312 = arith.constant 0 : i32
      %dma_wait3A_313 = tpu.memref_slice %arg9[%dma_wait3A_310, %dma_wait3A_312] : memref<8x128xf32, #tpu.memory_space<vmem>> -> memref<1x128xf32, #tpu.memory_space<vmem>>
      %dma_wait3A_314 = tpu.memref_squeeze %dma_wait3A_313 : memref<1x128xf32, #tpu.memory_space<vmem>> -> memref<128xf32, #tpu.memory_space<vmem>>
      %dma_wait3A_315 = arith.constant 0 : i32
      %dma_wait3A_316 = tpu.memref_slice %arg6[%dma_wait3A_311, %dma_wait3A_315] : memref<8x128xi32, #tpu.memory_space<vmem>> -> memref<1x128xi32, #tpu.memory_space<vmem>>
      %dma_wait3A_317 = tpu.memref_squeeze %dma_wait3A_316 : memref<1x128xi32, #tpu.memory_space<vmem>> -> memref<128xi32, #tpu.memory_space<vmem>>
      %dma_wait3A_318 = arith.constant 0 : i32
      %dma_wait3A_319 = tpu.memref_slice %arg14[%dma_wait3A_318] : memref<481280xf32, #tpu.memory_space<vmem_shared>> -> memref<481280xf32, #tpu.memory_space<vmem_shared>>
      tpu.wait_indirect_dma semaphore(%arg15 : memref<!tpu.dma_semaphore, #tpu.memory_space<semaphore_mem>>) src(%dma_wait3A_314 : memref<128xf32, #tpu.memory_space<vmem>>) dst(%dma_wait3A_319 : memref<481280xf32, #tpu.memory_space<vmem_shared>>)
      %dma_wait3A_320 = arith.constant 7 : i32
      %dma_wait3A_321 = arith.constant 7 : i32
      %dma_wait3A_322 = arith.constant 0 : i32
      %dma_wait3A_323 = tpu.memref_slice %arg8[%dma_wait3A_320, %dma_wait3A_322] : memref<8x128xf32, #tpu.memory_space<vmem>> -> memref<1x128xf32, #tpu.memory_space<vmem>>
      %dma_wait3A_324 = tpu.memref_squeeze %dma_wait3A_323 : memref<1x128xf32, #tpu.memory_space<vmem>> -> memref<128xf32, #tpu.memory_space<vmem>>
      %dma_wait3A_325 = arith.constant 0 : i32
      %dma_wait3A_326 = tpu.memref_slice %arg6[%dma_wait3A_321, %dma_wait3A_325] : memref<8x128xi32, #tpu.memory_space<vmem>> -> memref<1x128xi32, #tpu.memory_space<vmem>>
      %dma_wait3A_327 = tpu.memref_squeeze %dma_wait3A_326 : memref<1x128xi32, #tpu.memory_space<vmem>> -> memref<128xi32, #tpu.memory_space<vmem>>
      %dma_wait3A_328 = arith.constant 0 : i32
      %dma_wait3A_329 = tpu.memref_slice %arg13[%dma_wait3A_328] : memref<481280xf32, #tpu.memory_space<vmem_shared>> -> memref<481280xf32, #tpu.memory_space<vmem_shared>>
      tpu.wait_indirect_dma semaphore(%arg15 : memref<!tpu.dma_semaphore, #tpu.memory_space<semaphore_mem>>) src(%dma_wait3A_324 : memref<128xf32, #tpu.memory_space<vmem>>) dst(%dma_wait3A_329 : memref<481280xf32, #tpu.memory_space<vmem_shared>>)
      %dma_wait3A_330 = arith.constant 7 : i32
      %dma_wait3A_331 = arith.constant 7 : i32
      %dma_wait3A_332 = arith.constant 0 : i32
      %dma_wait3A_333 = tpu.memref_slice %arg9[%dma_wait3A_330, %dma_wait3A_332] : memref<8x128xf32, #tpu.memory_space<vmem>> -> memref<1x128xf32, #tpu.memory_space<vmem>>
      %dma_wait3A_334 = tpu.memref_squeeze %dma_wait3A_333 : memref<1x128xf32, #tpu.memory_space<vmem>> -> memref<128xf32, #tpu.memory_space<vmem>>
      %dma_wait3A_335 = arith.constant 0 : i32
      %dma_wait3A_336 = tpu.memref_slice %arg6[%dma_wait3A_331, %dma_wait3A_335] : memref<8x128xi32, #tpu.memory_space<vmem>> -> memref<1x128xi32, #tpu.memory_space<vmem>>
      %dma_wait3A_337 = tpu.memref_squeeze %dma_wait3A_336 : memref<1x128xi32, #tpu.memory_space<vmem>> -> memref<128xi32, #tpu.memory_space<vmem>>
      %dma_wait3A_338 = arith.constant 0 : i32
      %dma_wait3A_339 = tpu.memref_slice %arg14[%dma_wait3A_338] : memref<481280xf32, #tpu.memory_space<vmem_shared>> -> memref<481280xf32, #tpu.memory_space<vmem_shared>>
      tpu.wait_indirect_dma semaphore(%arg15 : memref<!tpu.dma_semaphore, #tpu.memory_space<semaphore_mem>>) src(%dma_wait3A_334 : memref<128xf32, #tpu.memory_space<vmem>>) dst(%dma_wait3A_339 : memref<481280xf32, #tpu.memory_space<vmem_shared>>)
      %barrier3A_340 = arith.constant 0 : index
      tpu.barrier barrier_id(%barrier3A_340)
      %dma_start3A_341 = arith.constant 0 : i32
      %dma_start3A_342 = tpu.memref_slice %arg4[%add3A, %dma_start3A_341, %multiple_of3A] : memref<16x1x481280xf32, #tpu.memory_space<hbm>> -> memref<1x1x30080xf32, #tpu.memory_space<hbm>>
      %dma_start3A_343 = tpu.memref_squeeze %dma_start3A_342 : memref<1x1x30080xf32, #tpu.memory_space<hbm>> -> memref<30080xf32, #tpu.memory_space<hbm>>
      %dma_start3A_344 = tpu.memref_slice %arg13[%multiple_of3A] : memref<481280xf32, #tpu.memory_space<vmem_shared>> -> memref<30080xf32, #tpu.memory_space<vmem_shared>>
      tpu.enqueue_dma source(%dma_start3A_344 : memref<30080xf32, #tpu.memory_space<vmem_shared>>) target(%dma_start3A_343 : memref<30080xf32, #tpu.memory_space<hbm>>) target_semaphore(%arg15 : memref<!tpu.dma_semaphore, #tpu.memory_space<semaphore_mem>>)
      %dma_start3A_345 = arith.constant 0 : i32
      %dma_start3A_346 = tpu.memref_slice %arg5[%add3A, %dma_start3A_345, %multiple_of3A] : memref<16x1x481280xf32, #tpu.memory_space<hbm>> -> memref<1x1x30080xf32, #tpu.memory_space<hbm>>
      %dma_start3A_347 = tpu.memref_squeeze %dma_start3A_346 : memref<1x1x30080xf32, #tpu.memory_space<hbm>> -> memref<30080xf32, #tpu.memory_space<hbm>>
      %dma_start3A_348 = tpu.memref_slice %arg14[%multiple_of3A] : memref<481280xf32, #tpu.memory_space<vmem_shared>> -> memref<30080xf32, #tpu.memory_space<vmem_shared>>
      tpu.enqueue_dma source(%dma_start3A_348 : memref<30080xf32, #tpu.memory_space<vmem_shared>>) target(%dma_start3A_347 : memref<30080xf32, #tpu.memory_space<hbm>>) target_semaphore(%arg15 : memref<!tpu.dma_semaphore, #tpu.memory_space<semaphore_mem>>)
      %dma_wait3A_349 = arith.constant 0 : i32
      %dma_wait3A_350 = tpu.memref_slice %arg4[%add3A, %dma_wait3A_349, %multiple_of3A] : memref<16x1x481280xf32, #tpu.memory_space<hbm>> -> memref<1x1x30080xf32, #tpu.memory_space<hbm>>
      %dma_wait3A_351 = tpu.memref_squeeze %dma_wait3A_350 : memref<1x1x30080xf32, #tpu.memory_space<hbm>> -> memref<30080xf32, #tpu.memory_space<hbm>>
      %dma_wait3A_352 = tpu.memref_slice %arg13[%multiple_of3A] : memref<481280xf32, #tpu.memory_space<vmem_shared>> -> memref<30080xf32, #tpu.memory_space<vmem_shared>>
      tpu.wait_dma2 semaphore(%arg15 : memref<!tpu.dma_semaphore, #tpu.memory_space<semaphore_mem>>) src(%dma_wait3A_352 : memref<30080xf32, #tpu.memory_space<vmem_shared>>) dst(%dma_wait3A_351 : memref<30080xf32, #tpu.memory_space<hbm>>)
      %dma_wait3A_353 = arith.constant 0 : i32
      %dma_wait3A_354 = tpu.memref_slice %arg5[%add3A, %dma_wait3A_353, %multiple_of3A] : memref<16x1x481280xf32, #tpu.memory_space<hbm>> -> memref<1x1x30080xf32, #tpu.memory_space<hbm>>
      %dma_wait3A_355 = tpu.memref_squeeze %dma_wait3A_354 : memref<1x1x30080xf32, #tpu.memory_space<hbm>> -> memref<30080xf32, #tpu.memory_space<hbm>>
      %dma_wait3A_356 = tpu.memref_slice %arg14[%multiple_of3A] : memref<481280xf32, #tpu.memory_space<vmem_shared>> -> memref<30080xf32, #tpu.memory_space<vmem_shared>>
      tpu.wait_dma2 semaphore(%arg15 : memref<!tpu.dma_semaphore, #tpu.memory_space<semaphore_mem>>) src(%dma_wait3A_356 : memref<30080xf32, #tpu.memory_space<vmem_shared>>) dst(%dma_wait3A_355 : memref<30080xf32, #tpu.memory_space<hbm>>)
      %barrier3A_357 = arith.constant 0 : index
      tpu.barrier barrier_id(%barrier3A_357)
      %dma_start3A_358 = arith.constant 0 : i32
      %dma_start3A_359 = arith.constant 0 : i32
      %dma_start3A_360 = arith.constant 0 : i32
      %dma_start3A_361 = tpu.memref_slice %arg10[%dma_start3A_358, %dma_start3A_360] : memref<8x128xf32, #tpu.memory_space<vmem>> -> memref<1x128xf32, #tpu.memory_space<vmem>>
      %dma_start3A_362 = tpu.memref_squeeze %dma_start3A_361 : memref<1x128xf32, #tpu.memory_space<vmem>> -> memref<128xf32, #tpu.memory_space<vmem>>
      %dma_start3A_363 = arith.constant 0 : i32
      %dma_start3A_364 = tpu.memref_slice %arg6[%dma_start3A_359, %dma_start3A_363] : memref<8x128xi32, #tpu.memory_space<vmem>> -> memref<1x128xi32, #tpu.memory_space<vmem>>
      %dma_start3A_365 = tpu.memref_squeeze %dma_start3A_364 : memref<1x128xi32, #tpu.memory_space<vmem>> -> memref<128xi32, #tpu.memory_space<vmem>>
      %dma_start3A_366 = arith.constant 0 : i32
      %dma_start3A_367 = tpu.memref_slice %arg13[%dma_start3A_366] : memref<481280xf32, #tpu.memory_space<vmem_shared>> -> memref<481280xf32, #tpu.memory_space<vmem_shared>>
      tpu.enqueue_indirect_dma source(%dma_start3A_362 : memref<128xf32, #tpu.memory_space<vmem>>) target(%dma_start3A_367 : memref<481280xf32, #tpu.memory_space<vmem_shared>>) offsets(%dma_start3A_365 : memref<128xi32, #tpu.memory_space<vmem>>) semaphore(%arg15 : memref<!tpu.dma_semaphore, #tpu.memory_space<semaphore_mem>>)
      %dma_start3A_368 = arith.constant 0 : i32
      %dma_start3A_369 = arith.constant 0 : i32
      %dma_start3A_370 = arith.constant 0 : i32
      %dma_start3A_371 = tpu.memref_slice %arg11[%dma_start3A_368, %dma_start3A_370] : memref<8x128xf32, #tpu.memory_space<vmem>> -> memref<1x128xf32, #tpu.memory_space<vmem>>
      %dma_start3A_372 = tpu.memref_squeeze %dma_start3A_371 : memref<1x128xf32, #tpu.memory_space<vmem>> -> memref<128xf32, #tpu.memory_space<vmem>>
      %dma_start3A_373 = arith.constant 0 : i32
      %dma_start3A_374 = tpu.memref_slice %arg6[%dma_start3A_369, %dma_start3A_373] : memref<8x128xi32, #tpu.memory_space<vmem>> -> memref<1x128xi32, #tpu.memory_space<vmem>>
      %dma_start3A_375 = tpu.memref_squeeze %dma_start3A_374 : memref<1x128xi32, #tpu.memory_space<vmem>> -> memref<128xi32, #tpu.memory_space<vmem>>
      %dma_start3A_376 = arith.constant 0 : i32
      %dma_start3A_377 = tpu.memref_slice %arg14[%dma_start3A_376] : memref<481280xf32, #tpu.memory_space<vmem_shared>> -> memref<481280xf32, #tpu.memory_space<vmem_shared>>
      tpu.enqueue_indirect_dma source(%dma_start3A_372 : memref<128xf32, #tpu.memory_space<vmem>>) target(%dma_start3A_377 : memref<481280xf32, #tpu.memory_space<vmem_shared>>) offsets(%dma_start3A_375 : memref<128xi32, #tpu.memory_space<vmem>>) semaphore(%arg15 : memref<!tpu.dma_semaphore, #tpu.memory_space<semaphore_mem>>)
      %dma_start3A_378 = arith.constant 1 : i32
      %dma_start3A_379 = arith.constant 1 : i32
      %dma_start3A_380 = arith.constant 0 : i32
      %dma_start3A_381 = tpu.memref_slice %arg10[%dma_start3A_378, %dma_start3A_380] : memref<8x128xf32, #tpu.memory_space<vmem>> -> memref<1x128xf32, #tpu.memory_space<vmem>>
      %dma_start3A_382 = tpu.memref_squeeze %dma_start3A_381 : memref<1x128xf32, #tpu.memory_space<vmem>> -> memref<128xf32, #tpu.memory_space<vmem>>
      %dma_start3A_383 = arith.constant 0 : i32
      %dma_start3A_384 = tpu.memref_slice %arg6[%dma_start3A_379, %dma_start3A_383] : memref<8x128xi32, #tpu.memory_space<vmem>> -> memref<1x128xi32, #tpu.memory_space<vmem>>
      %dma_start3A_385 = tpu.memref_squeeze %dma_start3A_384 : memref<1x128xi32, #tpu.memory_space<vmem>> -> memref<128xi32, #tpu.memory_space<vmem>>
      %dma_start3A_386 = arith.constant 0 : i32
      %dma_start3A_387 = tpu.memref_slice %arg13[%dma_start3A_386] : memref<481280xf32, #tpu.memory_space<vmem_shared>> -> memref<481280xf32, #tpu.memory_space<vmem_shared>>
      tpu.enqueue_indirect_dma source(%dma_start3A_382 : memref<128xf32, #tpu.memory_space<vmem>>) target(%dma_start3A_387 : memref<481280xf32, #tpu.memory_space<vmem_shared>>) offsets(%dma_start3A_385 : memref<128xi32, #tpu.memory_space<vmem>>) semaphore(%arg15 : memref<!tpu.dma_semaphore, #tpu.memory_space<semaphore_mem>>)
      %dma_start3A_388 = arith.constant 1 : i32
      %dma_start3A_389 = arith.constant 1 : i32
      %dma_start3A_390 = arith.constant 0 : i32
      %dma_start3A_391 = tpu.memref_slice %arg11[%dma_start3A_388, %dma_start3A_390] : memref<8x128xf32, #tpu.memory_space<vmem>> -> memref<1x128xf32, #tpu.memory_space<vmem>>
      %dma_start3A_392 = tpu.memref_squeeze %dma_start3A_391 : memref<1x128xf32, #tpu.memory_space<vmem>> -> memref<128xf32, #tpu.memory_space<vmem>>
      %dma_start3A_393 = arith.constant 0 : i32
      %dma_start3A_394 = tpu.memref_slice %arg6[%dma_start3A_389, %dma_start3A_393] : memref<8x128xi32, #tpu.memory_space<vmem>> -> memref<1x128xi32, #tpu.memory_space<vmem>>
      %dma_start3A_395 = tpu.memref_squeeze %dma_start3A_394 : memref<1x128xi32, #tpu.memory_space<vmem>> -> memref<128xi32, #tpu.memory_space<vmem>>
      %dma_start3A_396 = arith.constant 0 : i32
      %dma_start3A_397 = tpu.memref_slice %arg14[%dma_start3A_396] : memref<481280xf32, #tpu.memory_space<vmem_shared>> -> memref<481280xf32, #tpu.memory_space<vmem_shared>>
      tpu.enqueue_indirect_dma source(%dma_start3A_392 : memref<128xf32, #tpu.memory_space<vmem>>) target(%dma_start3A_397 : memref<481280xf32, #tpu.memory_space<vmem_shared>>) offsets(%dma_start3A_395 : memref<128xi32, #tpu.memory_space<vmem>>) semaphore(%arg15 : memref<!tpu.dma_semaphore, #tpu.memory_space<semaphore_mem>>)
      %dma_start3A_398 = arith.constant 2 : i32
      %dma_start3A_399 = arith.constant 2 : i32
      %dma_start3A_400 = arith.constant 0 : i32
      %dma_start3A_401 = tpu.memref_slice %arg10[%dma_start3A_398, %dma_start3A_400] : memref<8x128xf32, #tpu.memory_space<vmem>> -> memref<1x128xf32, #tpu.memory_space<vmem>>
      %dma_start3A_402 = tpu.memref_squeeze %dma_start3A_401 : memref<1x128xf32, #tpu.memory_space<vmem>> -> memref<128xf32, #tpu.memory_space<vmem>>
      %dma_start3A_403 = arith.constant 0 : i32
      %dma_start3A_404 = tpu.memref_slice %arg6[%dma_start3A_399, %dma_start3A_403] : memref<8x128xi32, #tpu.memory_space<vmem>> -> memref<1x128xi32, #tpu.memory_space<vmem>>
      %dma_start3A_405 = tpu.memref_squeeze %dma_start3A_404 : memref<1x128xi32, #tpu.memory_space<vmem>> -> memref<128xi32, #tpu.memory_space<vmem>>
      %dma_start3A_406 = arith.constant 0 : i32
      %dma_start3A_407 = tpu.memref_slice %arg13[%dma_start3A_406] : memref<481280xf32, #tpu.memory_space<vmem_shared>> -> memref<481280xf32, #tpu.memory_space<vmem_shared>>
      tpu.enqueue_indirect_dma source(%dma_start3A_402 : memref<128xf32, #tpu.memory_space<vmem>>) target(%dma_start3A_407 : memref<481280xf32, #tpu.memory_space<vmem_shared>>) offsets(%dma_start3A_405 : memref<128xi32, #tpu.memory_space<vmem>>) semaphore(%arg15 : memref<!tpu.dma_semaphore, #tpu.memory_space<semaphore_mem>>)
      %dma_start3A_408 = arith.constant 2 : i32
      %dma_start3A_409 = arith.constant 2 : i32
      %dma_start3A_410 = arith.constant 0 : i32
      %dma_start3A_411 = tpu.memref_slice %arg11[%dma_start3A_408, %dma_start3A_410] : memref<8x128xf32, #tpu.memory_space<vmem>> -> memref<1x128xf32, #tpu.memory_space<vmem>>
      %dma_start3A_412 = tpu.memref_squeeze %dma_start3A_411 : memref<1x128xf32, #tpu.memory_space<vmem>> -> memref<128xf32, #tpu.memory_space<vmem>>
      %dma_start3A_413 = arith.constant 0 : i32
      %dma_start3A_414 = tpu.memref_slice %arg6[%dma_start3A_409, %dma_start3A_413] : memref<8x128xi32, #tpu.memory_space<vmem>> -> memref<1x128xi32, #tpu.memory_space<vmem>>
      %dma_start3A_415 = tpu.memref_squeeze %dma_start3A_414 : memref<1x128xi32, #tpu.memory_space<vmem>> -> memref<128xi32, #tpu.memory_space<vmem>>
      %dma_start3A_416 = arith.constant 0 : i32
      %dma_start3A_417 = tpu.memref_slice %arg14[%dma_start3A_416] : memref<481280xf32, #tpu.memory_space<vmem_shared>> -> memref<481280xf32, #tpu.memory_space<vmem_shared>>
      tpu.enqueue_indirect_dma source(%dma_start3A_412 : memref<128xf32, #tpu.memory_space<vmem>>) target(%dma_start3A_417 : memref<481280xf32, #tpu.memory_space<vmem_shared>>) offsets(%dma_start3A_415 : memref<128xi32, #tpu.memory_space<vmem>>) semaphore(%arg15 : memref<!tpu.dma_semaphore, #tpu.memory_space<semaphore_mem>>)
      %dma_start3A_418 = arith.constant 3 : i32
      %dma_start3A_419 = arith.constant 3 : i32
      %dma_start3A_420 = arith.constant 0 : i32
      %dma_start3A_421 = tpu.memref_slice %arg10[%dma_start3A_418, %dma_start3A_420] : memref<8x128xf32, #tpu.memory_space<vmem>> -> memref<1x128xf32, #tpu.memory_space<vmem>>
      %dma_start3A_422 = tpu.memref_squeeze %dma_start3A_421 : memref<1x128xf32, #tpu.memory_space<vmem>> -> memref<128xf32, #tpu.memory_space<vmem>>
      %dma_start3A_423 = arith.constant 0 : i32
      %dma_start3A_424 = tpu.memref_slice %arg6[%dma_start3A_419, %dma_start3A_423] : memref<8x128xi32, #tpu.memory_space<vmem>> -> memref<1x128xi32, #tpu.memory_space<vmem>>
      %dma_start3A_425 = tpu.memref_squeeze %dma_start3A_424 : memref<1x128xi32, #tpu.memory_space<vmem>> -> memref<128xi32, #tpu.memory_space<vmem>>
      %dma_start3A_426 = arith.constant 0 : i32
      %dma_start3A_427 = tpu.memref_slice %arg13[%dma_start3A_426] : memref<481280xf32, #tpu.memory_space<vmem_shared>> -> memref<481280xf32, #tpu.memory_space<vmem_shared>>
      tpu.enqueue_indirect_dma source(%dma_start3A_422 : memref<128xf32, #tpu.memory_space<vmem>>) target(%dma_start3A_427 : memref<481280xf32, #tpu.memory_space<vmem_shared>>) offsets(%dma_start3A_425 : memref<128xi32, #tpu.memory_space<vmem>>) semaphore(%arg15 : memref<!tpu.dma_semaphore, #tpu.memory_space<semaphore_mem>>)
      %dma_start3A_428 = arith.constant 3 : i32
      %dma_start3A_429 = arith.constant 3 : i32
      %dma_start3A_430 = arith.constant 0 : i32
      %dma_start3A_431 = tpu.memref_slice %arg11[%dma_start3A_428, %dma_start3A_430] : memref<8x128xf32, #tpu.memory_space<vmem>> -> memref<1x128xf32, #tpu.memory_space<vmem>>
      %dma_start3A_432 = tpu.memref_squeeze %dma_start3A_431 : memref<1x128xf32, #tpu.memory_space<vmem>> -> memref<128xf32, #tpu.memory_space<vmem>>
      %dma_start3A_433 = arith.constant 0 : i32
      %dma_start3A_434 = tpu.memref_slice %arg6[%dma_start3A_429, %dma_start3A_433] : memref<8x128xi32, #tpu.memory_space<vmem>> -> memref<1x128xi32, #tpu.memory_space<vmem>>
      %dma_start3A_435 = tpu.memref_squeeze %dma_start3A_434 : memref<1x128xi32, #tpu.memory_space<vmem>> -> memref<128xi32, #tpu.memory_space<vmem>>
      %dma_start3A_436 = arith.constant 0 : i32
      %dma_start3A_437 = tpu.memref_slice %arg14[%dma_start3A_436] : memref<481280xf32, #tpu.memory_space<vmem_shared>> -> memref<481280xf32, #tpu.memory_space<vmem_shared>>
      tpu.enqueue_indirect_dma source(%dma_start3A_432 : memref<128xf32, #tpu.memory_space<vmem>>) target(%dma_start3A_437 : memref<481280xf32, #tpu.memory_space<vmem_shared>>) offsets(%dma_start3A_435 : memref<128xi32, #tpu.memory_space<vmem>>) semaphore(%arg15 : memref<!tpu.dma_semaphore, #tpu.memory_space<semaphore_mem>>)
      %dma_start3A_438 = arith.constant 4 : i32
      %dma_start3A_439 = arith.constant 4 : i32
      %dma_start3A_440 = arith.constant 0 : i32
      %dma_start3A_441 = tpu.memref_slice %arg10[%dma_start3A_438, %dma_start3A_440] : memref<8x128xf32, #tpu.memory_space<vmem>> -> memref<1x128xf32, #tpu.memory_space<vmem>>
      %dma_start3A_442 = tpu.memref_squeeze %dma_start3A_441 : memref<1x128xf32, #tpu.memory_space<vmem>> -> memref<128xf32, #tpu.memory_space<vmem>>
      %dma_start3A_443 = arith.constant 0 : i32
      %dma_start3A_444 = tpu.memref_slice %arg6[%dma_start3A_439, %dma_start3A_443] : memref<8x128xi32, #tpu.memory_space<vmem>> -> memref<1x128xi32, #tpu.memory_space<vmem>>
      %dma_start3A_445 = tpu.memref_squeeze %dma_start3A_444 : memref<1x128xi32, #tpu.memory_space<vmem>> -> memref<128xi32, #tpu.memory_space<vmem>>
      %dma_start3A_446 = arith.constant 0 : i32
      %dma_start3A_447 = tpu.memref_slice %arg13[%dma_start3A_446] : memref<481280xf32, #tpu.memory_space<vmem_shared>> -> memref<481280xf32, #tpu.memory_space<vmem_shared>>
      tpu.enqueue_indirect_dma source(%dma_start3A_442 : memref<128xf32, #tpu.memory_space<vmem>>) target(%dma_start3A_447 : memref<481280xf32, #tpu.memory_space<vmem_shared>>) offsets(%dma_start3A_445 : memref<128xi32, #tpu.memory_space<vmem>>) semaphore(%arg15 : memref<!tpu.dma_semaphore, #tpu.memory_space<semaphore_mem>>)
      %dma_start3A_448 = arith.constant 4 : i32
      %dma_start3A_449 = arith.constant 4 : i32
      %dma_start3A_450 = arith.constant 0 : i32
      %dma_start3A_451 = tpu.memref_slice %arg11[%dma_start3A_448, %dma_start3A_450] : memref<8x128xf32, #tpu.memory_space<vmem>> -> memref<1x128xf32, #tpu.memory_space<vmem>>
      %dma_start3A_452 = tpu.memref_squeeze %dma_start3A_451 : memref<1x128xf32, #tpu.memory_space<vmem>> -> memref<128xf32, #tpu.memory_space<vmem>>
      %dma_start3A_453 = arith.constant 0 : i32
      %dma_start3A_454 = tpu.memref_slice %arg6[%dma_start3A_449, %dma_start3A_453] : memref<8x128xi32, #tpu.memory_space<vmem>> -> memref<1x128xi32, #tpu.memory_space<vmem>>
      %dma_start3A_455 = tpu.memref_squeeze %dma_start3A_454 : memref<1x128xi32, #tpu.memory_space<vmem>> -> memref<128xi32, #tpu.memory_space<vmem>>
      %dma_start3A_456 = arith.constant 0 : i32
      %dma_start3A_457 = tpu.memref_slice %arg14[%dma_start3A_456] : memref<481280xf32, #tpu.memory_space<vmem_shared>> -> memref<481280xf32, #tpu.memory_space<vmem_shared>>
      tpu.enqueue_indirect_dma source(%dma_start3A_452 : memref<128xf32, #tpu.memory_space<vmem>>) target(%dma_start3A_457 : memref<481280xf32, #tpu.memory_space<vmem_shared>>) offsets(%dma_start3A_455 : memref<128xi32, #tpu.memory_space<vmem>>) semaphore(%arg15 : memref<!tpu.dma_semaphore, #tpu.memory_space<semaphore_mem>>)
      %dma_start3A_458 = arith.constant 5 : i32
      %dma_start3A_459 = arith.constant 5 : i32
      %dma_start3A_460 = arith.constant 0 : i32
      %dma_start3A_461 = tpu.memref_slice %arg10[%dma_start3A_458, %dma_start3A_460] : memref<8x128xf32, #tpu.memory_space<vmem>> -> memref<1x128xf32, #tpu.memory_space<vmem>>
      %dma_start3A_462 = tpu.memref_squeeze %dma_start3A_461 : memref<1x128xf32, #tpu.memory_space<vmem>> -> memref<128xf32, #tpu.memory_space<vmem>>
      %dma_start3A_463 = arith.constant 0 : i32
      %dma_start3A_464 = tpu.memref_slice %arg6[%dma_start3A_459, %dma_start3A_463] : memref<8x128xi32, #tpu.memory_space<vmem>> -> memref<1x128xi32, #tpu.memory_space<vmem>>
      %dma_start3A_465 = tpu.memref_squeeze %dma_start3A_464 : memref<1x128xi32, #tpu.memory_space<vmem>> -> memref<128xi32, #tpu.memory_space<vmem>>
      %dma_start3A_466 = arith.constant 0 : i32
      %dma_start3A_467 = tpu.memref_slice %arg13[%dma_start3A_466] : memref<481280xf32, #tpu.memory_space<vmem_shared>> -> memref<481280xf32, #tpu.memory_space<vmem_shared>>
      tpu.enqueue_indirect_dma source(%dma_start3A_462 : memref<128xf32, #tpu.memory_space<vmem>>) target(%dma_start3A_467 : memref<481280xf32, #tpu.memory_space<vmem_shared>>) offsets(%dma_start3A_465 : memref<128xi32, #tpu.memory_space<vmem>>) semaphore(%arg15 : memref<!tpu.dma_semaphore, #tpu.memory_space<semaphore_mem>>)
      %dma_start3A_468 = arith.constant 5 : i32
      %dma_start3A_469 = arith.constant 5 : i32
      %dma_start3A_470 = arith.constant 0 : i32
      %dma_start3A_471 = tpu.memref_slice %arg11[%dma_start3A_468, %dma_start3A_470] : memref<8x128xf32, #tpu.memory_space<vmem>> -> memref<1x128xf32, #tpu.memory_space<vmem>>
      %dma_start3A_472 = tpu.memref_squeeze %dma_start3A_471 : memref<1x128xf32, #tpu.memory_space<vmem>> -> memref<128xf32, #tpu.memory_space<vmem>>
      %dma_start3A_473 = arith.constant 0 : i32
      %dma_start3A_474 = tpu.memref_slice %arg6[%dma_start3A_469, %dma_start3A_473] : memref<8x128xi32, #tpu.memory_space<vmem>> -> memref<1x128xi32, #tpu.memory_space<vmem>>
      %dma_start3A_475 = tpu.memref_squeeze %dma_start3A_474 : memref<1x128xi32, #tpu.memory_space<vmem>> -> memref<128xi32, #tpu.memory_space<vmem>>
      %dma_start3A_476 = arith.constant 0 : i32
      %dma_start3A_477 = tpu.memref_slice %arg14[%dma_start3A_476] : memref<481280xf32, #tpu.memory_space<vmem_shared>> -> memref<481280xf32, #tpu.memory_space<vmem_shared>>
      tpu.enqueue_indirect_dma source(%dma_start3A_472 : memref<128xf32, #tpu.memory_space<vmem>>) target(%dma_start3A_477 : memref<481280xf32, #tpu.memory_space<vmem_shared>>) offsets(%dma_start3A_475 : memref<128xi32, #tpu.memory_space<vmem>>) semaphore(%arg15 : memref<!tpu.dma_semaphore, #tpu.memory_space<semaphore_mem>>)
      %dma_start3A_478 = arith.constant 6 : i32
      %dma_start3A_479 = arith.constant 6 : i32
      %dma_start3A_480 = arith.constant 0 : i32
      %dma_start3A_481 = tpu.memref_slice %arg10[%dma_start3A_478, %dma_start3A_480] : memref<8x128xf32, #tpu.memory_space<vmem>> -> memref<1x128xf32, #tpu.memory_space<vmem>>
      %dma_start3A_482 = tpu.memref_squeeze %dma_start3A_481 : memref<1x128xf32, #tpu.memory_space<vmem>> -> memref<128xf32, #tpu.memory_space<vmem>>
      %dma_start3A_483 = arith.constant 0 : i32
      %dma_start3A_484 = tpu.memref_slice %arg6[%dma_start3A_479, %dma_start3A_483] : memref<8x128xi32, #tpu.memory_space<vmem>> -> memref<1x128xi32, #tpu.memory_space<vmem>>
      %dma_start3A_485 = tpu.memref_squeeze %dma_start3A_484 : memref<1x128xi32, #tpu.memory_space<vmem>> -> memref<128xi32, #tpu.memory_space<vmem>>
      %dma_start3A_486 = arith.constant 0 : i32
      %dma_start3A_487 = tpu.memref_slice %arg13[%dma_start3A_486] : memref<481280xf32, #tpu.memory_space<vmem_shared>> -> memref<481280xf32, #tpu.memory_space<vmem_shared>>
      tpu.enqueue_indirect_dma source(%dma_start3A_482 : memref<128xf32, #tpu.memory_space<vmem>>) target(%dma_start3A_487 : memref<481280xf32, #tpu.memory_space<vmem_shared>>) offsets(%dma_start3A_485 : memref<128xi32, #tpu.memory_space<vmem>>) semaphore(%arg15 : memref<!tpu.dma_semaphore, #tpu.memory_space<semaphore_mem>>)
      %dma_start3A_488 = arith.constant 6 : i32
      %dma_start3A_489 = arith.constant 6 : i32
      %dma_start3A_490 = arith.constant 0 : i32
      %dma_start3A_491 = tpu.memref_slice %arg11[%dma_start3A_488, %dma_start3A_490] : memref<8x128xf32, #tpu.memory_space<vmem>> -> memref<1x128xf32, #tpu.memory_space<vmem>>
      %dma_start3A_492 = tpu.memref_squeeze %dma_start3A_491 : memref<1x128xf32, #tpu.memory_space<vmem>> -> memref<128xf32, #tpu.memory_space<vmem>>
      %dma_start3A_493 = arith.constant 0 : i32
      %dma_start3A_494 = tpu.memref_slice %arg6[%dma_start3A_489, %dma_start3A_493] : memref<8x128xi32, #tpu.memory_space<vmem>> -> memref<1x128xi32, #tpu.memory_space<vmem>>
      %dma_start3A_495 = tpu.memref_squeeze %dma_start3A_494 : memref<1x128xi32, #tpu.memory_space<vmem>> -> memref<128xi32, #tpu.memory_space<vmem>>
      %dma_start3A_496 = arith.constant 0 : i32
      %dma_start3A_497 = tpu.memref_slice %arg14[%dma_start3A_496] : memref<481280xf32, #tpu.memory_space<vmem_shared>> -> memref<481280xf32, #tpu.memory_space<vmem_shared>>
      tpu.enqueue_indirect_dma source(%dma_start3A_492 : memref<128xf32, #tpu.memory_space<vmem>>) target(%dma_start3A_497 : memref<481280xf32, #tpu.memory_space<vmem_shared>>) offsets(%dma_start3A_495 : memref<128xi32, #tpu.memory_space<vmem>>) semaphore(%arg15 : memref<!tpu.dma_semaphore, #tpu.memory_space<semaphore_mem>>)
      %dma_start3A_498 = arith.constant 7 : i32
      %dma_start3A_499 = arith.constant 7 : i32
      %dma_start3A_500 = arith.constant 0 : i32
      %dma_start3A_501 = tpu.memref_slice %arg10[%dma_start3A_498, %dma_start3A_500] : memref<8x128xf32, #tpu.memory_space<vmem>> -> memref<1x128xf32, #tpu.memory_space<vmem>>
      %dma_start3A_502 = tpu.memref_squeeze %dma_start3A_501 : memref<1x128xf32, #tpu.memory_space<vmem>> -> memref<128xf32, #tpu.memory_space<vmem>>
      %dma_start3A_503 = arith.constant 0 : i32
      %dma_start3A_504 = tpu.memref_slice %arg6[%dma_start3A_499, %dma_start3A_503] : memref<8x128xi32, #tpu.memory_space<vmem>> -> memref<1x128xi32, #tpu.memory_space<vmem>>
      %dma_start3A_505 = tpu.memref_squeeze %dma_start3A_504 : memref<1x128xi32, #tpu.memory_space<vmem>> -> memref<128xi32, #tpu.memory_space<vmem>>
      %dma_start3A_506 = arith.constant 0 : i32
      %dma_start3A_507 = tpu.memref_slice %arg13[%dma_start3A_506] : memref<481280xf32, #tpu.memory_space<vmem_shared>> -> memref<481280xf32, #tpu.memory_space<vmem_shared>>
      tpu.enqueue_indirect_dma source(%dma_start3A_502 : memref<128xf32, #tpu.memory_space<vmem>>) target(%dma_start3A_507 : memref<481280xf32, #tpu.memory_space<vmem_shared>>) offsets(%dma_start3A_505 : memref<128xi32, #tpu.memory_space<vmem>>) semaphore(%arg15 : memref<!tpu.dma_semaphore, #tpu.memory_space<semaphore_mem>>)
      %dma_start3A_508 = arith.constant 7 : i32
      %dma_start3A_509 = arith.constant 7 : i32
      %dma_start3A_510 = arith.constant 0 : i32
      %dma_start3A_511 = tpu.memref_slice %arg11[%dma_start3A_508, %dma_start3A_510] : memref<8x128xf32, #tpu.memory_space<vmem>> -> memref<1x128xf32, #tpu.memory_space<vmem>>
      %dma_start3A_512 = tpu.memref_squeeze %dma_start3A_511 : memref<1x128xf32, #tpu.memory_space<vmem>> -> memref<128xf32, #tpu.memory_space<vmem>>
      %dma_start3A_513 = arith.constant 0 : i32
      %dma_start3A_514 = tpu.memref_slice %arg6[%dma_start3A_509, %dma_start3A_513] : memref<8x128xi32, #tpu.memory_space<vmem>> -> memref<1x128xi32, #tpu.memory_space<vmem>>
      %dma_start3A_515 = tpu.memref_squeeze %dma_start3A_514 : memref<1x128xi32, #tpu.memory_space<vmem>> -> memref<128xi32, #tpu.memory_space<vmem>>
      %dma_start3A_516 = arith.constant 0 : i32
      %dma_start3A_517 = tpu.memref_slice %arg14[%dma_start3A_516] : memref<481280xf32, #tpu.memory_space<vmem_shared>> -> memref<481280xf32, #tpu.memory_space<vmem_shared>>
      tpu.enqueue_indirect_dma source(%dma_start3A_512 : memref<128xf32, #tpu.memory_space<vmem>>) target(%dma_start3A_517 : memref<481280xf32, #tpu.memory_space<vmem_shared>>) offsets(%dma_start3A_515 : memref<128xi32, #tpu.memory_space<vmem>>) semaphore(%arg15 : memref<!tpu.dma_semaphore, #tpu.memory_space<semaphore_mem>>)
      %dma_wait3A_518 = arith.constant 0 : i32
      %dma_wait3A_519 = arith.constant 0 : i32
      %dma_wait3A_520 = arith.constant 0 : i32
      %dma_wait3A_521 = tpu.memref_slice %arg10[%dma_wait3A_518, %dma_wait3A_520] : memref<8x128xf32, #tpu.memory_space<vmem>> -> memref<1x128xf32, #tpu.memory_space<vmem>>
      %dma_wait3A_522 = tpu.memref_squeeze %dma_wait3A_521 : memref<1x128xf32, #tpu.memory_space<vmem>> -> memref<128xf32, #tpu.memory_space<vmem>>
      %dma_wait3A_523 = arith.constant 0 : i32
      %dma_wait3A_524 = tpu.memref_slice %arg6[%dma_wait3A_519, %dma_wait3A_523] : memref<8x128xi32, #tpu.memory_space<vmem>> -> memref<1x128xi32, #tpu.memory_space<vmem>>
      %dma_wait3A_525 = tpu.memref_squeeze %dma_wait3A_524 : memref<1x128xi32, #tpu.memory_space<vmem>> -> memref<128xi32, #tpu.memory_space<vmem>>
      %dma_wait3A_526 = arith.constant 0 : i32
      %dma_wait3A_527 = tpu.memref_slice %arg13[%dma_wait3A_526] : memref<481280xf32, #tpu.memory_space<vmem_shared>> -> memref<481280xf32, #tpu.memory_space<vmem_shared>>
      tpu.wait_indirect_dma semaphore(%arg15 : memref<!tpu.dma_semaphore, #tpu.memory_space<semaphore_mem>>) src(%dma_wait3A_522 : memref<128xf32, #tpu.memory_space<vmem>>) dst(%dma_wait3A_527 : memref<481280xf32, #tpu.memory_space<vmem_shared>>)
      %dma_wait3A_528 = arith.constant 0 : i32
      %dma_wait3A_529 = arith.constant 0 : i32
      %dma_wait3A_530 = arith.constant 0 : i32
      %dma_wait3A_531 = tpu.memref_slice %arg11[%dma_wait3A_528, %dma_wait3A_530] : memref<8x128xf32, #tpu.memory_space<vmem>> -> memref<1x128xf32, #tpu.memory_space<vmem>>
      %dma_wait3A_532 = tpu.memref_squeeze %dma_wait3A_531 : memref<1x128xf32, #tpu.memory_space<vmem>> -> memref<128xf32, #tpu.memory_space<vmem>>
      %dma_wait3A_533 = arith.constant 0 : i32
      %dma_wait3A_534 = tpu.memref_slice %arg6[%dma_wait3A_529, %dma_wait3A_533] : memref<8x128xi32, #tpu.memory_space<vmem>> -> memref<1x128xi32, #tpu.memory_space<vmem>>
      %dma_wait3A_535 = tpu.memref_squeeze %dma_wait3A_534 : memref<1x128xi32, #tpu.memory_space<vmem>> -> memref<128xi32, #tpu.memory_space<vmem>>
      %dma_wait3A_536 = arith.constant 0 : i32
      %dma_wait3A_537 = tpu.memref_slice %arg14[%dma_wait3A_536] : memref<481280xf32, #tpu.memory_space<vmem_shared>> -> memref<481280xf32, #tpu.memory_space<vmem_shared>>
      tpu.wait_indirect_dma semaphore(%arg15 : memref<!tpu.dma_semaphore, #tpu.memory_space<semaphore_mem>>) src(%dma_wait3A_532 : memref<128xf32, #tpu.memory_space<vmem>>) dst(%dma_wait3A_537 : memref<481280xf32, #tpu.memory_space<vmem_shared>>)
      %dma_wait3A_538 = arith.constant 1 : i32
      %dma_wait3A_539 = arith.constant 1 : i32
      %dma_wait3A_540 = arith.constant 0 : i32
      %dma_wait3A_541 = tpu.memref_slice %arg10[%dma_wait3A_538, %dma_wait3A_540] : memref<8x128xf32, #tpu.memory_space<vmem>> -> memref<1x128xf32, #tpu.memory_space<vmem>>
      %dma_wait3A_542 = tpu.memref_squeeze %dma_wait3A_541 : memref<1x128xf32, #tpu.memory_space<vmem>> -> memref<128xf32, #tpu.memory_space<vmem>>
      %dma_wait3A_543 = arith.constant 0 : i32
      %dma_wait3A_544 = tpu.memref_slice %arg6[%dma_wait3A_539, %dma_wait3A_543] : memref<8x128xi32, #tpu.memory_space<vmem>> -> memref<1x128xi32, #tpu.memory_space<vmem>>
      %dma_wait3A_545 = tpu.memref_squeeze %dma_wait3A_544 : memref<1x128xi32, #tpu.memory_space<vmem>> -> memref<128xi32, #tpu.memory_space<vmem>>
      %dma_wait3A_546 = arith.constant 0 : i32
      %dma_wait3A_547 = tpu.memref_slice %arg13[%dma_wait3A_546] : memref<481280xf32, #tpu.memory_space<vmem_shared>> -> memref<481280xf32, #tpu.memory_space<vmem_shared>>
      tpu.wait_indirect_dma semaphore(%arg15 : memref<!tpu.dma_semaphore, #tpu.memory_space<semaphore_mem>>) src(%dma_wait3A_542 : memref<128xf32, #tpu.memory_space<vmem>>) dst(%dma_wait3A_547 : memref<481280xf32, #tpu.memory_space<vmem_shared>>)
      %dma_wait3A_548 = arith.constant 1 : i32
      %dma_wait3A_549 = arith.constant 1 : i32
      %dma_wait3A_550 = arith.constant 0 : i32
      %dma_wait3A_551 = tpu.memref_slice %arg11[%dma_wait3A_548, %dma_wait3A_550] : memref<8x128xf32, #tpu.memory_space<vmem>> -> memref<1x128xf32, #tpu.memory_space<vmem>>
      %dma_wait3A_552 = tpu.memref_squeeze %dma_wait3A_551 : memref<1x128xf32, #tpu.memory_space<vmem>> -> memref<128xf32, #tpu.memory_space<vmem>>
      %dma_wait3A_553 = arith.constant 0 : i32
      %dma_wait3A_554 = tpu.memref_slice %arg6[%dma_wait3A_549, %dma_wait3A_553] : memref<8x128xi32, #tpu.memory_space<vmem>> -> memref<1x128xi32, #tpu.memory_space<vmem>>
      %dma_wait3A_555 = tpu.memref_squeeze %dma_wait3A_554 : memref<1x128xi32, #tpu.memory_space<vmem>> -> memref<128xi32, #tpu.memory_space<vmem>>
      %dma_wait3A_556 = arith.constant 0 : i32
      %dma_wait3A_557 = tpu.memref_slice %arg14[%dma_wait3A_556] : memref<481280xf32, #tpu.memory_space<vmem_shared>> -> memref<481280xf32, #tpu.memory_space<vmem_shared>>
      tpu.wait_indirect_dma semaphore(%arg15 : memref<!tpu.dma_semaphore, #tpu.memory_space<semaphore_mem>>) src(%dma_wait3A_552 : memref<128xf32, #tpu.memory_space<vmem>>) dst(%dma_wait3A_557 : memref<481280xf32, #tpu.memory_space<vmem_shared>>)
      %dma_wait3A_558 = arith.constant 2 : i32
      %dma_wait3A_559 = arith.constant 2 : i32
      %dma_wait3A_560 = arith.constant 0 : i32
      %dma_wait3A_561 = tpu.memref_slice %arg10[%dma_wait3A_558, %dma_wait3A_560] : memref<8x128xf32, #tpu.memory_space<vmem>> -> memref<1x128xf32, #tpu.memory_space<vmem>>
      %dma_wait3A_562 = tpu.memref_squeeze %dma_wait3A_561 : memref<1x128xf32, #tpu.memory_space<vmem>> -> memref<128xf32, #tpu.memory_space<vmem>>
      %dma_wait3A_563 = arith.constant 0 : i32
      %dma_wait3A_564 = tpu.memref_slice %arg6[%dma_wait3A_559, %dma_wait3A_563] : memref<8x128xi32, #tpu.memory_space<vmem>> -> memref<1x128xi32, #tpu.memory_space<vmem>>
      %dma_wait3A_565 = tpu.memref_squeeze %dma_wait3A_564 : memref<1x128xi32, #tpu.memory_space<vmem>> -> memref<128xi32, #tpu.memory_space<vmem>>
      %dma_wait3A_566 = arith.constant 0 : i32
      %dma_wait3A_567 = tpu.memref_slice %arg13[%dma_wait3A_566] : memref<481280xf32, #tpu.memory_space<vmem_shared>> -> memref<481280xf32, #tpu.memory_space<vmem_shared>>
      tpu.wait_indirect_dma semaphore(%arg15 : memref<!tpu.dma_semaphore, #tpu.memory_space<semaphore_mem>>) src(%dma_wait3A_562 : memref<128xf32, #tpu.memory_space<vmem>>) dst(%dma_wait3A_567 : memref<481280xf32, #tpu.memory_space<vmem_shared>>)
      %dma_wait3A_568 = arith.constant 2 : i32
      %dma_wait3A_569 = arith.constant 2 : i32
      %dma_wait3A_570 = arith.constant 0 : i32
      %dma_wait3A_571 = tpu.memref_slice %arg11[%dma_wait3A_568, %dma_wait3A_570] : memref<8x128xf32, #tpu.memory_space<vmem>> -> memref<1x128xf32, #tpu.memory_space<vmem>>
      %dma_wait3A_572 = tpu.memref_squeeze %dma_wait3A_571 : memref<1x128xf32, #tpu.memory_space<vmem>> -> memref<128xf32, #tpu.memory_space<vmem>>
      %dma_wait3A_573 = arith.constant 0 : i32
      %dma_wait3A_574 = tpu.memref_slice %arg6[%dma_wait3A_569, %dma_wait3A_573] : memref<8x128xi32, #tpu.memory_space<vmem>> -> memref<1x128xi32, #tpu.memory_space<vmem>>
      %dma_wait3A_575 = tpu.memref_squeeze %dma_wait3A_574 : memref<1x128xi32, #tpu.memory_space<vmem>> -> memref<128xi32, #tpu.memory_space<vmem>>
      %dma_wait3A_576 = arith.constant 0 : i32
      %dma_wait3A_577 = tpu.memref_slice %arg14[%dma_wait3A_576] : memref<481280xf32, #tpu.memory_space<vmem_shared>> -> memref<481280xf32, #tpu.memory_space<vmem_shared>>
      tpu.wait_indirect_dma semaphore(%arg15 : memref<!tpu.dma_semaphore, #tpu.memory_space<semaphore_mem>>) src(%dma_wait3A_572 : memref<128xf32, #tpu.memory_space<vmem>>) dst(%dma_wait3A_577 : memref<481280xf32, #tpu.memory_space<vmem_shared>>)
      %dma_wait3A_578 = arith.constant 3 : i32
      %dma_wait3A_579 = arith.constant 3 : i32
      %dma_wait3A_580 = arith.constant 0 : i32
      %dma_wait3A_581 = tpu.memref_slice %arg10[%dma_wait3A_578, %dma_wait3A_580] : memref<8x128xf32, #tpu.memory_space<vmem>> -> memref<1x128xf32, #tpu.memory_space<vmem>>
      %dma_wait3A_582 = tpu.memref_squeeze %dma_wait3A_581 : memref<1x128xf32, #tpu.memory_space<vmem>> -> memref<128xf32, #tpu.memory_space<vmem>>
      %dma_wait3A_583 = arith.constant 0 : i32
      %dma_wait3A_584 = tpu.memref_slice %arg6[%dma_wait3A_579, %dma_wait3A_583] : memref<8x128xi32, #tpu.memory_space<vmem>> -> memref<1x128xi32, #tpu.memory_space<vmem>>
      %dma_wait3A_585 = tpu.memref_squeeze %dma_wait3A_584 : memref<1x128xi32, #tpu.memory_space<vmem>> -> memref<128xi32, #tpu.memory_space<vmem>>
      %dma_wait3A_586 = arith.constant 0 : i32
      %dma_wait3A_587 = tpu.memref_slice %arg13[%dma_wait3A_586] : memref<481280xf32, #tpu.memory_space<vmem_shared>> -> memref<481280xf32, #tpu.memory_space<vmem_shared>>
      tpu.wait_indirect_dma semaphore(%arg15 : memref<!tpu.dma_semaphore, #tpu.memory_space<semaphore_mem>>) src(%dma_wait3A_582 : memref<128xf32, #tpu.memory_space<vmem>>) dst(%dma_wait3A_587 : memref<481280xf32, #tpu.memory_space<vmem_shared>>)
      %dma_wait3A_588 = arith.constant 3 : i32
      %dma_wait3A_589 = arith.constant 3 : i32
      %dma_wait3A_590 = arith.constant 0 : i32
      %dma_wait3A_591 = tpu.memref_slice %arg11[%dma_wait3A_588, %dma_wait3A_590] : memref<8x128xf32, #tpu.memory_space<vmem>> -> memref<1x128xf32, #tpu.memory_space<vmem>>
      %dma_wait3A_592 = tpu.memref_squeeze %dma_wait3A_591 : memref<1x128xf32, #tpu.memory_space<vmem>> -> memref<128xf32, #tpu.memory_space<vmem>>
      %dma_wait3A_593 = arith.constant 0 : i32
      %dma_wait3A_594 = tpu.memref_slice %arg6[%dma_wait3A_589, %dma_wait3A_593] : memref<8x128xi32, #tpu.memory_space<vmem>> -> memref<1x128xi32, #tpu.memory_space<vmem>>
      %dma_wait3A_595 = tpu.memref_squeeze %dma_wait3A_594 : memref<1x128xi32, #tpu.memory_space<vmem>> -> memref<128xi32, #tpu.memory_space<vmem>>
      %dma_wait3A_596 = arith.constant 0 : i32
      %dma_wait3A_597 = tpu.memref_slice %arg14[%dma_wait3A_596] : memref<481280xf32, #tpu.memory_space<vmem_shared>> -> memref<481280xf32, #tpu.memory_space<vmem_shared>>
      tpu.wait_indirect_dma semaphore(%arg15 : memref<!tpu.dma_semaphore, #tpu.memory_space<semaphore_mem>>) src(%dma_wait3A_592 : memref<128xf32, #tpu.memory_space<vmem>>) dst(%dma_wait3A_597 : memref<481280xf32, #tpu.memory_space<vmem_shared>>)
      %dma_wait3A_598 = arith.constant 4 : i32
      %dma_wait3A_599 = arith.constant 4 : i32
      %dma_wait3A_600 = arith.constant 0 : i32
      %dma_wait3A_601 = tpu.memref_slice %arg10[%dma_wait3A_598, %dma_wait3A_600] : memref<8x128xf32, #tpu.memory_space<vmem>> -> memref<1x128xf32, #tpu.memory_space<vmem>>
      %dma_wait3A_602 = tpu.memref_squeeze %dma_wait3A_601 : memref<1x128xf32, #tpu.memory_space<vmem>> -> memref<128xf32, #tpu.memory_space<vmem>>
      %dma_wait3A_603 = arith.constant 0 : i32
      %dma_wait3A_604 = tpu.memref_slice %arg6[%dma_wait3A_599, %dma_wait3A_603] : memref<8x128xi32, #tpu.memory_space<vmem>> -> memref<1x128xi32, #tpu.memory_space<vmem>>
      %dma_wait3A_605 = tpu.memref_squeeze %dma_wait3A_604 : memref<1x128xi32, #tpu.memory_space<vmem>> -> memref<128xi32, #tpu.memory_space<vmem>>
      %dma_wait3A_606 = arith.constant 0 : i32
      %dma_wait3A_607 = tpu.memref_slice %arg13[%dma_wait3A_606] : memref<481280xf32, #tpu.memory_space<vmem_shared>> -> memref<481280xf32, #tpu.memory_space<vmem_shared>>
      tpu.wait_indirect_dma semaphore(%arg15 : memref<!tpu.dma_semaphore, #tpu.memory_space<semaphore_mem>>) src(%dma_wait3A_602 : memref<128xf32, #tpu.memory_space<vmem>>) dst(%dma_wait3A_607 : memref<481280xf32, #tpu.memory_space<vmem_shared>>)
      %dma_wait3A_608 = arith.constant 4 : i32
      %dma_wait3A_609 = arith.constant 4 : i32
      %dma_wait3A_610 = arith.constant 0 : i32
      %dma_wait3A_611 = tpu.memref_slice %arg11[%dma_wait3A_608, %dma_wait3A_610] : memref<8x128xf32, #tpu.memory_space<vmem>> -> memref<1x128xf32, #tpu.memory_space<vmem>>
      %dma_wait3A_612 = tpu.memref_squeeze %dma_wait3A_611 : memref<1x128xf32, #tpu.memory_space<vmem>> -> memref<128xf32, #tpu.memory_space<vmem>>
      %dma_wait3A_613 = arith.constant 0 : i32
      %dma_wait3A_614 = tpu.memref_slice %arg6[%dma_wait3A_609, %dma_wait3A_613] : memref<8x128xi32, #tpu.memory_space<vmem>> -> memref<1x128xi32, #tpu.memory_space<vmem>>
      %dma_wait3A_615 = tpu.memref_squeeze %dma_wait3A_614 : memref<1x128xi32, #tpu.memory_space<vmem>> -> memref<128xi32, #tpu.memory_space<vmem>>
      %dma_wait3A_616 = arith.constant 0 : i32
      %dma_wait3A_617 = tpu.memref_slice %arg14[%dma_wait3A_616] : memref<481280xf32, #tpu.memory_space<vmem_shared>> -> memref<481280xf32, #tpu.memory_space<vmem_shared>>
      tpu.wait_indirect_dma semaphore(%arg15 : memref<!tpu.dma_semaphore, #tpu.memory_space<semaphore_mem>>) src(%dma_wait3A_612 : memref<128xf32, #tpu.memory_space<vmem>>) dst(%dma_wait3A_617 : memref<481280xf32, #tpu.memory_space<vmem_shared>>)
      %dma_wait3A_618 = arith.constant 5 : i32
      %dma_wait3A_619 = arith.constant 5 : i32
      %dma_wait3A_620 = arith.constant 0 : i32
      %dma_wait3A_621 = tpu.memref_slice %arg10[%dma_wait3A_618, %dma_wait3A_620] : memref<8x128xf32, #tpu.memory_space<vmem>> -> memref<1x128xf32, #tpu.memory_space<vmem>>
      %dma_wait3A_622 = tpu.memref_squeeze %dma_wait3A_621 : memref<1x128xf32, #tpu.memory_space<vmem>> -> memref<128xf32, #tpu.memory_space<vmem>>
      %dma_wait3A_623 = arith.constant 0 : i32
      %dma_wait3A_624 = tpu.memref_slice %arg6[%dma_wait3A_619, %dma_wait3A_623] : memref<8x128xi32, #tpu.memory_space<vmem>> -> memref<1x128xi32, #tpu.memory_space<vmem>>
      %dma_wait3A_625 = tpu.memref_squeeze %dma_wait3A_624 : memref<1x128xi32, #tpu.memory_space<vmem>> -> memref<128xi32, #tpu.memory_space<vmem>>
      %dma_wait3A_626 = arith.constant 0 : i32
      %dma_wait3A_627 = tpu.memref_slice %arg13[%dma_wait3A_626] : memref<481280xf32, #tpu.memory_space<vmem_shared>> -> memref<481280xf32, #tpu.memory_space<vmem_shared>>
      tpu.wait_indirect_dma semaphore(%arg15 : memref<!tpu.dma_semaphore, #tpu.memory_space<semaphore_mem>>) src(%dma_wait3A_622 : memref<128xf32, #tpu.memory_space<vmem>>) dst(%dma_wait3A_627 : memref<481280xf32, #tpu.memory_space<vmem_shared>>)
      %dma_wait3A_628 = arith.constant 5 : i32
      %dma_wait3A_629 = arith.constant 5 : i32
      %dma_wait3A_630 = arith.constant 0 : i32
      %dma_wait3A_631 = tpu.memref_slice %arg11[%dma_wait3A_628, %dma_wait3A_630] : memref<8x128xf32, #tpu.memory_space<vmem>> -> memref<1x128xf32, #tpu.memory_space<vmem>>
      %dma_wait3A_632 = tpu.memref_squeeze %dma_wait3A_631 : memref<1x128xf32, #tpu.memory_space<vmem>> -> memref<128xf32, #tpu.memory_space<vmem>>
      %dma_wait3A_633 = arith.constant 0 : i32
      %dma_wait3A_634 = tpu.memref_slice %arg6[%dma_wait3A_629, %dma_wait3A_633] : memref<8x128xi32, #tpu.memory_space<vmem>> -> memref<1x128xi32, #tpu.memory_space<vmem>>
      %dma_wait3A_635 = tpu.memref_squeeze %dma_wait3A_634 : memref<1x128xi32, #tpu.memory_space<vmem>> -> memref<128xi32, #tpu.memory_space<vmem>>
      %dma_wait3A_636 = arith.constant 0 : i32
      %dma_wait3A_637 = tpu.memref_slice %arg14[%dma_wait3A_636] : memref<481280xf32, #tpu.memory_space<vmem_shared>> -> memref<481280xf32, #tpu.memory_space<vmem_shared>>
      tpu.wait_indirect_dma semaphore(%arg15 : memref<!tpu.dma_semaphore, #tpu.memory_space<semaphore_mem>>) src(%dma_wait3A_632 : memref<128xf32, #tpu.memory_space<vmem>>) dst(%dma_wait3A_637 : memref<481280xf32, #tpu.memory_space<vmem_shared>>)
      %dma_wait3A_638 = arith.constant 6 : i32
      %dma_wait3A_639 = arith.constant 6 : i32
      %dma_wait3A_640 = arith.constant 0 : i32
      %dma_wait3A_641 = tpu.memref_slice %arg10[%dma_wait3A_638, %dma_wait3A_640] : memref<8x128xf32, #tpu.memory_space<vmem>> -> memref<1x128xf32, #tpu.memory_space<vmem>>
      %dma_wait3A_642 = tpu.memref_squeeze %dma_wait3A_641 : memref<1x128xf32, #tpu.memory_space<vmem>> -> memref<128xf32, #tpu.memory_space<vmem>>
      %dma_wait3A_643 = arith.constant 0 : i32
      %dma_wait3A_644 = tpu.memref_slice %arg6[%dma_wait3A_639, %dma_wait3A_643] : memref<8x128xi32, #tpu.memory_space<vmem>> -> memref<1x128xi32, #tpu.memory_space<vmem>>
      %dma_wait3A_645 = tpu.memref_squeeze %dma_wait3A_644 : memref<1x128xi32, #tpu.memory_space<vmem>> -> memref<128xi32, #tpu.memory_space<vmem>>
      %dma_wait3A_646 = arith.constant 0 : i32
      %dma_wait3A_647 = tpu.memref_slice %arg13[%dma_wait3A_646] : memref<481280xf32, #tpu.memory_space<vmem_shared>> -> memref<481280xf32, #tpu.memory_space<vmem_shared>>
      tpu.wait_indirect_dma semaphore(%arg15 : memref<!tpu.dma_semaphore, #tpu.memory_space<semaphore_mem>>) src(%dma_wait3A_642 : memref<128xf32, #tpu.memory_space<vmem>>) dst(%dma_wait3A_647 : memref<481280xf32, #tpu.memory_space<vmem_shared>>)
      %dma_wait3A_648 = arith.constant 6 : i32
      %dma_wait3A_649 = arith.constant 6 : i32
      %dma_wait3A_650 = arith.constant 0 : i32
      %dma_wait3A_651 = tpu.memref_slice %arg11[%dma_wait3A_648, %dma_wait3A_650] : memref<8x128xf32, #tpu.memory_space<vmem>> -> memref<1x128xf32, #tpu.memory_space<vmem>>
      %dma_wait3A_652 = tpu.memref_squeeze %dma_wait3A_651 : memref<1x128xf32, #tpu.memory_space<vmem>> -> memref<128xf32, #tpu.memory_space<vmem>>
      %dma_wait3A_653 = arith.constant 0 : i32
      %dma_wait3A_654 = tpu.memref_slice %arg6[%dma_wait3A_649, %dma_wait3A_653] : memref<8x128xi32, #tpu.memory_space<vmem>> -> memref<1x128xi32, #tpu.memory_space<vmem>>
      %dma_wait3A_655 = tpu.memref_squeeze %dma_wait3A_654 : memref<1x128xi32, #tpu.memory_space<vmem>> -> memref<128xi32, #tpu.memory_space<vmem>>
      %dma_wait3A_656 = arith.constant 0 : i32
      %dma_wait3A_657 = tpu.memref_slice %arg14[%dma_wait3A_656] : memref<481280xf32, #tpu.memory_space<vmem_shared>> -> memref<481280xf32, #tpu.memory_space<vmem_shared>>
      tpu.wait_indirect_dma semaphore(%arg15 : memref<!tpu.dma_semaphore, #tpu.memory_space<semaphore_mem>>) src(%dma_wait3A_652 : memref<128xf32, #tpu.memory_space<vmem>>) dst(%dma_wait3A_657 : memref<481280xf32, #tpu.memory_space<vmem_shared>>)
      %dma_wait3A_658 = arith.constant 7 : i32
      %dma_wait3A_659 = arith.constant 7 : i32
      %dma_wait3A_660 = arith.constant 0 : i32
      %dma_wait3A_661 = tpu.memref_slice %arg10[%dma_wait3A_658, %dma_wait3A_660] : memref<8x128xf32, #tpu.memory_space<vmem>> -> memref<1x128xf32, #tpu.memory_space<vmem>>
      %dma_wait3A_662 = tpu.memref_squeeze %dma_wait3A_661 : memref<1x128xf32, #tpu.memory_space<vmem>> -> memref<128xf32, #tpu.memory_space<vmem>>
      %dma_wait3A_663 = arith.constant 0 : i32
      %dma_wait3A_664 = tpu.memref_slice %arg6[%dma_wait3A_659, %dma_wait3A_663] : memref<8x128xi32, #tpu.memory_space<vmem>> -> memref<1x128xi32, #tpu.memory_space<vmem>>
      %dma_wait3A_665 = tpu.memref_squeeze %dma_wait3A_664 : memref<1x128xi32, #tpu.memory_space<vmem>> -> memref<128xi32, #tpu.memory_space<vmem>>
      %dma_wait3A_666 = arith.constant 0 : i32
      %dma_wait3A_667 = tpu.memref_slice %arg13[%dma_wait3A_666] : memref<481280xf32, #tpu.memory_space<vmem_shared>> -> memref<481280xf32, #tpu.memory_space<vmem_shared>>
      tpu.wait_indirect_dma semaphore(%arg15 : memref<!tpu.dma_semaphore, #tpu.memory_space<semaphore_mem>>) src(%dma_wait3A_662 : memref<128xf32, #tpu.memory_space<vmem>>) dst(%dma_wait3A_667 : memref<481280xf32, #tpu.memory_space<vmem_shared>>)
      %dma_wait3A_668 = arith.constant 7 : i32
      %dma_wait3A_669 = arith.constant 7 : i32
      %dma_wait3A_670 = arith.constant 0 : i32
      %dma_wait3A_671 = tpu.memref_slice %arg11[%dma_wait3A_668, %dma_wait3A_670] : memref<8x128xf32, #tpu.memory_space<vmem>> -> memref<1x128xf32, #tpu.memory_space<vmem>>
      %dma_wait3A_672 = tpu.memref_squeeze %dma_wait3A_671 : memref<1x128xf32, #tpu.memory_space<vmem>> -> memref<128xf32, #tpu.memory_space<vmem>>
      %dma_wait3A_673 = arith.constant 0 : i32
      %dma_wait3A_674 = tpu.memref_slice %arg6[%dma_wait3A_669, %dma_wait3A_673] : memref<8x128xi32, #tpu.memory_space<vmem>> -> memref<1x128xi32, #tpu.memory_space<vmem>>
      %dma_wait3A_675 = tpu.memref_squeeze %dma_wait3A_674 : memref<1x128xi32, #tpu.memory_space<vmem>> -> memref<128xi32, #tpu.memory_space<vmem>>
      %dma_wait3A_676 = arith.constant 0 : i32
      %dma_wait3A_677 = tpu.memref_slice %arg14[%dma_wait3A_676] : memref<481280xf32, #tpu.memory_space<vmem_shared>> -> memref<481280xf32, #tpu.memory_space<vmem_shared>>
      tpu.wait_indirect_dma semaphore(%arg15 : memref<!tpu.dma_semaphore, #tpu.memory_space<semaphore_mem>>) src(%dma_wait3A_672 : memref<128xf32, #tpu.memory_space<vmem>>) dst(%dma_wait3A_677 : memref<481280xf32, #tpu.memory_space<vmem_shared>>)
    }
    %scan3A_12 = arith.constant 8 : i32
    return
  }
}

module attributes {stable_mosaic.version = 14 : i64} {
  func.func @_stage1_body(%arg0: i32, %arg1: memref<16x4x4xf32, #tpu.memory_space<smem>>, %arg2: memref<3x3xf32, #tpu.memory_space<smem>>, %arg3: memref<16x3xf32, #tpu.memory_space<smem>>, %arg4: memref<16x3xf32, #tpu.memory_space<smem>>, %arg5: memref<1x4x16384xf32, #tpu.memory_space<vmem>>, %arg6: memref<1x1x16384xi32, #tpu.memory_space<vmem>>, %arg7: memref<1x1x16384xf32, #tpu.memory_space<vmem>>, %arg8: memref<1x1x1xf32, #tpu.memory_space<vmem>>) attributes {dimension_semantics = [#tpu.dimension_semantics<arbitrary>], iteration_bounds = array<i64: 16>, scalar_prefetch = 0 : i64, scratch_operands = 0 : i64, tpu.core_type = #tpu.core_type<tc>, window_params = [{transform_indices = @transform_0, window_bounds = array<i64: 16, 4, 4>}, {transform_indices = @transform_1, window_bounds = array<i64: 3, 3>}, {transform_indices = @transform_2, window_bounds = array<i64: 16, 3>}, {transform_indices = @transform_3, window_bounds = array<i64: 16, 3>}, {transform_indices = @transform_4, window_bounds = array<i64: 1, 4, 16384>}, {transform_indices = @transform_5, window_bounds = array<i64: 1, 1, 16384>}, {transform_indices = @transform_6, window_bounds = array<i64: 1, 1, 16384>}, {transform_indices = @transform_7, window_bounds = array<i64: 1, 1, 1>}]} {
    %get3A = arith.index_cast %arg0 : i32 to index
    %get3A_0 = arith.constant 0 : index
    %get3A_1 = memref.load %arg3[%get3A, %get3A_0] : memref<16x3xf32, #tpu.memory_space<smem>>
    %get3A_2 = arith.index_cast %arg0 : i32 to index
    %get3A_3 = arith.constant 1 : index
    %get3A_4 = memref.load %arg3[%get3A_2, %get3A_3] : memref<16x3xf32, #tpu.memory_space<smem>>
    %get3A_5 = arith.index_cast %arg0 : i32 to index
    %get3A_6 = arith.constant 2 : index
    %get3A_7 = memref.load %arg3[%get3A_5, %get3A_6] : memref<16x3xf32, #tpu.memory_space<smem>>
    %get3A_8 = arith.index_cast %arg0 : i32 to index
    %get3A_9 = arith.constant 0 : index
    %get3A_10 = memref.load %arg4[%get3A_8, %get3A_9] : memref<16x3xf32, #tpu.memory_space<smem>>
    %get3A_11 = arith.index_cast %arg0 : i32 to index
    %get3A_12 = arith.constant 1 : index
    %get3A_13 = memref.load %arg4[%get3A_11, %get3A_12] : memref<16x3xf32, #tpu.memory_space<smem>>
    %get3A_14 = arith.index_cast %arg0 : i32 to index
    %get3A_15 = arith.constant 2 : index
    %get3A_16 = memref.load %arg4[%get3A_14, %get3A_15] : memref<16x3xf32, #tpu.memory_space<smem>>
    %mul3A = arith.mulf %get3A_1, %get3A_1 : f32
    %mul3A_17 = arith.mulf %get3A_4, %get3A_4 : f32
    %add3A = arith.addf %mul3A, %mul3A_17 : f32
    %mul3A_18 = arith.mulf %get3A_7, %get3A_7 : f32
    %add3A_19 = arith.addf %add3A, %mul3A_18 : f32
    %sqrt3A = math.sqrt %add3A_19 : f32
    %sin3A = math.sin %sqrt3A : f32
    %div3A = arith.divf %sin3A, %sqrt3A : f32
    %cos3A = math.cos %sqrt3A : f32
    %sub3A = arith.constant 1.000000e+00 : f32
    %sub3A_20 = arith.subf %sub3A, %cos3A : f32
    %div3A_21 = arith.divf %sub3A_20, %add3A_19 : f32
    %mul3A_22 = arith.mulf %div3A_21, %add3A_19 : f32
    %sub3A_23 = arith.constant 1.000000e+00 : f32
    %sub3A_24 = arith.subf %sub3A_23, %mul3A_22 : f32
    %mul3A_25 = arith.mulf %div3A_21, %get3A_1 : f32
    %mul3A_26 = arith.mulf %mul3A_25, %get3A_1 : f32
    %add3A_27 = arith.addf %sub3A_24, %mul3A_26 : f32
    %neg3A = arith.constant 0.000000e+00 : f32
    %neg3A_28 = arith.subf %neg3A, %div3A : f32
    %mul3A_29 = arith.mulf %neg3A_28, %get3A_7 : f32
    %mul3A_30 = arith.mulf %div3A_21, %get3A_1 : f32
    %mul3A_31 = arith.mulf %mul3A_30, %get3A_4 : f32
    %add3A_32 = arith.addf %mul3A_29, %mul3A_31 : f32
    %mul3A_33 = arith.mulf %div3A, %get3A_4 : f32
    %mul3A_34 = arith.mulf %div3A_21, %get3A_1 : f32
    %mul3A_35 = arith.mulf %mul3A_34, %get3A_7 : f32
    %add3A_36 = arith.addf %mul3A_33, %mul3A_35 : f32
    %mul3A_37 = arith.mulf %div3A, %get3A_7 : f32
    %mul3A_38 = arith.mulf %div3A_21, %get3A_4 : f32
    %mul3A_39 = arith.mulf %mul3A_38, %get3A_1 : f32
    %add3A_40 = arith.addf %mul3A_37, %mul3A_39 : f32
    %mul3A_41 = arith.mulf %div3A_21, %get3A_4 : f32
    %mul3A_42 = arith.mulf %mul3A_41, %get3A_4 : f32
    %add3A_43 = arith.addf %sub3A_24, %mul3A_42 : f32
    %neg3A_44 = arith.constant 0.000000e+00 : f32
    %neg3A_45 = arith.subf %neg3A_44, %div3A : f32
    %mul3A_46 = arith.mulf %neg3A_45, %get3A_1 : f32
    %mul3A_47 = arith.mulf %div3A_21, %get3A_4 : f32
    %mul3A_48 = arith.mulf %mul3A_47, %get3A_7 : f32
    %add3A_49 = arith.addf %mul3A_46, %mul3A_48 : f32
    %neg3A_50 = arith.constant 0.000000e+00 : f32
    %neg3A_51 = arith.subf %neg3A_50, %div3A : f32
    %mul3A_52 = arith.mulf %neg3A_51, %get3A_4 : f32
    %mul3A_53 = arith.mulf %div3A_21, %get3A_7 : f32
    %mul3A_54 = arith.mulf %mul3A_53, %get3A_1 : f32
    %add3A_55 = arith.addf %mul3A_52, %mul3A_54 : f32
    %mul3A_56 = arith.mulf %div3A, %get3A_1 : f32
    %mul3A_57 = arith.mulf %div3A_21, %get3A_7 : f32
    %mul3A_58 = arith.mulf %mul3A_57, %get3A_4 : f32
    %add3A_59 = arith.addf %mul3A_56, %mul3A_58 : f32
    %mul3A_60 = arith.mulf %div3A_21, %get3A_7 : f32
    %mul3A_61 = arith.mulf %mul3A_60, %get3A_7 : f32
    %add3A_62 = arith.addf %sub3A_24, %mul3A_61 : f32
    %get3A_63 = arith.constant 0 : index
    %get3A_64 = arith.constant 0 : index
    %get3A_65 = arith.constant 0 : index
    %get3A_66 = vector.load %arg5[%get3A_63, %get3A_64, %get3A_65] : memref<1x4x16384xf32, #tpu.memory_space<vmem>>, vector<1x1x16384xf32>
    %get3A_67 = vector.shape_cast %get3A_66 : vector<1x1x16384xf32> to vector<1x16384xf32>
    %get3A_68 = arith.constant 0 : index
    %get3A_69 = arith.constant 1 : index
    %get3A_70 = arith.constant 0 : index
    %get3A_71 = vector.load %arg5[%get3A_68, %get3A_69, %get3A_70] : memref<1x4x16384xf32, #tpu.memory_space<vmem>>, vector<1x1x16384xf32>
    %get3A_72 = vector.shape_cast %get3A_71 : vector<1x1x16384xf32> to vector<1x16384xf32>
    %get3A_73 = arith.constant 0 : index
    %get3A_74 = arith.constant 2 : index
    %get3A_75 = arith.constant 0 : index
    %get3A_76 = vector.load %arg5[%get3A_73, %get3A_74, %get3A_75] : memref<1x4x16384xf32, #tpu.memory_space<vmem>>, vector<1x1x16384xf32>
    %get3A_77 = vector.shape_cast %get3A_76 : vector<1x1x16384xf32> to vector<1x16384xf32>
    %get3A_78 = arith.constant 0 : index
    %get3A_79 = arith.constant 3 : index
    %get3A_80 = arith.constant 0 : index
    %get3A_81 = vector.load %arg5[%get3A_78, %get3A_79, %get3A_80] : memref<1x4x16384xf32, #tpu.memory_space<vmem>>, vector<1x1x16384xf32>
    %get3A_82 = vector.shape_cast %get3A_81 : vector<1x1x16384xf32> to vector<1x16384xf32>
    %get3A_83 = arith.index_cast %arg0 : i32 to index
    %get3A_84 = arith.constant 0 : index
    %get3A_85 = arith.constant 0 : index
    %get3A_86 = memref.load %arg1[%get3A_83, %get3A_84, %get3A_85] : memref<16x4x4xf32, #tpu.memory_space<smem>>
    %mul3A_87 = vector.broadcast %get3A_86 : f32 to vector<1x16384xf32>
    %mul3A_88 = arith.mulf %mul3A_87, %get3A_67 : vector<1x16384xf32>
    %get3A_89 = arith.index_cast %arg0 : i32 to index
    %get3A_90 = arith.constant 0 : index
    %get3A_91 = arith.constant 1 : index
    %get3A_92 = memref.load %arg1[%get3A_89, %get3A_90, %get3A_91] : memref<16x4x4xf32, #tpu.memory_space<smem>>
    %mul3A_93 = vector.broadcast %get3A_92 : f32 to vector<1x16384xf32>
    %mul3A_94 = arith.mulf %mul3A_93, %get3A_72 : vector<1x16384xf32>
    %add3A_95 = arith.addf %mul3A_88, %mul3A_94 : vector<1x16384xf32>
    %get3A_96 = arith.index_cast %arg0 : i32 to index
    %get3A_97 = arith.constant 0 : index
    %get3A_98 = arith.constant 2 : index
    %get3A_99 = memref.load %arg1[%get3A_96, %get3A_97, %get3A_98] : memref<16x4x4xf32, #tpu.memory_space<smem>>
    %mul3A_100 = vector.broadcast %get3A_99 : f32 to vector<1x16384xf32>
    %mul3A_101 = arith.mulf %mul3A_100, %get3A_77 : vector<1x16384xf32>
    %add3A_102 = arith.addf %add3A_95, %mul3A_101 : vector<1x16384xf32>
    %get3A_103 = arith.index_cast %arg0 : i32 to index
    %get3A_104 = arith.constant 0 : index
    %get3A_105 = arith.constant 3 : index
    %get3A_106 = memref.load %arg1[%get3A_103, %get3A_104, %get3A_105] : memref<16x4x4xf32, #tpu.memory_space<smem>>
    %mul3A_107 = vector.broadcast %get3A_106 : f32 to vector<1x16384xf32>
    %mul3A_108 = arith.mulf %mul3A_107, %get3A_82 : vector<1x16384xf32>
    %add3A_109 = arith.addf %add3A_102, %mul3A_108 : vector<1x16384xf32>
    %get3A_110 = arith.index_cast %arg0 : i32 to index
    %get3A_111 = arith.constant 1 : index
    %get3A_112 = arith.constant 0 : index
    %get3A_113 = memref.load %arg1[%get3A_110, %get3A_111, %get3A_112] : memref<16x4x4xf32, #tpu.memory_space<smem>>
    %mul3A_114 = vector.broadcast %get3A_113 : f32 to vector<1x16384xf32>
    %mul3A_115 = arith.mulf %mul3A_114, %get3A_67 : vector<1x16384xf32>
    %get3A_116 = arith.index_cast %arg0 : i32 to index
    %get3A_117 = arith.constant 1 : index
    %get3A_118 = arith.constant 1 : index
    %get3A_119 = memref.load %arg1[%get3A_116, %get3A_117, %get3A_118] : memref<16x4x4xf32, #tpu.memory_space<smem>>
    %mul3A_120 = vector.broadcast %get3A_119 : f32 to vector<1x16384xf32>
    %mul3A_121 = arith.mulf %mul3A_120, %get3A_72 : vector<1x16384xf32>
    %add3A_122 = arith.addf %mul3A_115, %mul3A_121 : vector<1x16384xf32>
    %get3A_123 = arith.index_cast %arg0 : i32 to index
    %get3A_124 = arith.constant 1 : index
    %get3A_125 = arith.constant 2 : index
    %get3A_126 = memref.load %arg1[%get3A_123, %get3A_124, %get3A_125] : memref<16x4x4xf32, #tpu.memory_space<smem>>
    %mul3A_127 = vector.broadcast %get3A_126 : f32 to vector<1x16384xf32>
    %mul3A_128 = arith.mulf %mul3A_127, %get3A_77 : vector<1x16384xf32>
    %add3A_129 = arith.addf %add3A_122, %mul3A_128 : vector<1x16384xf32>
    %get3A_130 = arith.index_cast %arg0 : i32 to index
    %get3A_131 = arith.constant 1 : index
    %get3A_132 = arith.constant 3 : index
    %get3A_133 = memref.load %arg1[%get3A_130, %get3A_131, %get3A_132] : memref<16x4x4xf32, #tpu.memory_space<smem>>
    %mul3A_134 = vector.broadcast %get3A_133 : f32 to vector<1x16384xf32>
    %mul3A_135 = arith.mulf %mul3A_134, %get3A_82 : vector<1x16384xf32>
    %add3A_136 = arith.addf %add3A_129, %mul3A_135 : vector<1x16384xf32>
    %get3A_137 = arith.index_cast %arg0 : i32 to index
    %get3A_138 = arith.constant 2 : index
    %get3A_139 = arith.constant 0 : index
    %get3A_140 = memref.load %arg1[%get3A_137, %get3A_138, %get3A_139] : memref<16x4x4xf32, #tpu.memory_space<smem>>
    %mul3A_141 = vector.broadcast %get3A_140 : f32 to vector<1x16384xf32>
    %mul3A_142 = arith.mulf %mul3A_141, %get3A_67 : vector<1x16384xf32>
    %get3A_143 = arith.index_cast %arg0 : i32 to index
    %get3A_144 = arith.constant 2 : index
    %get3A_145 = arith.constant 1 : index
    %get3A_146 = memref.load %arg1[%get3A_143, %get3A_144, %get3A_145] : memref<16x4x4xf32, #tpu.memory_space<smem>>
    %mul3A_147 = vector.broadcast %get3A_146 : f32 to vector<1x16384xf32>
    %mul3A_148 = arith.mulf %mul3A_147, %get3A_72 : vector<1x16384xf32>
    %add3A_149 = arith.addf %mul3A_142, %mul3A_148 : vector<1x16384xf32>
    %get3A_150 = arith.index_cast %arg0 : i32 to index
    %get3A_151 = arith.constant 2 : index
    %get3A_152 = arith.constant 2 : index
    %get3A_153 = memref.load %arg1[%get3A_150, %get3A_151, %get3A_152] : memref<16x4x4xf32, #tpu.memory_space<smem>>
    %mul3A_154 = vector.broadcast %get3A_153 : f32 to vector<1x16384xf32>
    %mul3A_155 = arith.mulf %mul3A_154, %get3A_77 : vector<1x16384xf32>
    %add3A_156 = arith.addf %add3A_149, %mul3A_155 : vector<1x16384xf32>
    %get3A_157 = arith.index_cast %arg0 : i32 to index
    %get3A_158 = arith.constant 2 : index
    %get3A_159 = arith.constant 3 : index
    %get3A_160 = memref.load %arg1[%get3A_157, %get3A_158, %get3A_159] : memref<16x4x4xf32, #tpu.memory_space<smem>>
    %mul3A_161 = vector.broadcast %get3A_160 : f32 to vector<1x16384xf32>
    %mul3A_162 = arith.mulf %mul3A_161, %get3A_82 : vector<1x16384xf32>
    %add3A_163 = arith.addf %add3A_156, %mul3A_162 : vector<1x16384xf32>
    %get3A_164 = arith.index_cast %arg0 : i32 to index
    %get3A_165 = arith.constant 3 : index
    %get3A_166 = arith.constant 0 : index
    %get3A_167 = memref.load %arg1[%get3A_164, %get3A_165, %get3A_166] : memref<16x4x4xf32, #tpu.memory_space<smem>>
    %mul3A_168 = vector.broadcast %get3A_167 : f32 to vector<1x16384xf32>
    %mul3A_169 = arith.mulf %mul3A_168, %get3A_67 : vector<1x16384xf32>
    %get3A_170 = arith.index_cast %arg0 : i32 to index
    %get3A_171 = arith.constant 3 : index
    %get3A_172 = arith.constant 1 : index
    %get3A_173 = memref.load %arg1[%get3A_170, %get3A_171, %get3A_172] : memref<16x4x4xf32, #tpu.memory_space<smem>>
    %mul3A_174 = vector.broadcast %get3A_173 : f32 to vector<1x16384xf32>
    %mul3A_175 = arith.mulf %mul3A_174, %get3A_72 : vector<1x16384xf32>
    %add3A_176 = arith.addf %mul3A_169, %mul3A_175 : vector<1x16384xf32>
    %get3A_177 = arith.index_cast %arg0 : i32 to index
    %get3A_178 = arith.constant 3 : index
    %get3A_179 = arith.constant 2 : index
    %get3A_180 = memref.load %arg1[%get3A_177, %get3A_178, %get3A_179] : memref<16x4x4xf32, #tpu.memory_space<smem>>
    %mul3A_181 = vector.broadcast %get3A_180 : f32 to vector<1x16384xf32>
    %mul3A_182 = arith.mulf %mul3A_181, %get3A_77 : vector<1x16384xf32>
    %add3A_183 = arith.addf %add3A_176, %mul3A_182 : vector<1x16384xf32>
    %get3A_184 = arith.index_cast %arg0 : i32 to index
    %get3A_185 = arith.constant 3 : index
    %get3A_186 = arith.constant 3 : index
    %get3A_187 = memref.load %arg1[%get3A_184, %get3A_185, %get3A_186] : memref<16x4x4xf32, #tpu.memory_space<smem>>
    %mul3A_188 = vector.broadcast %get3A_187 : f32 to vector<1x16384xf32>
    %mul3A_189 = arith.mulf %mul3A_188, %get3A_82 : vector<1x16384xf32>
    %add3A_190 = arith.addf %add3A_183, %mul3A_189 : vector<1x16384xf32>
    %mul3A_191 = vector.broadcast %add3A_27 : f32 to vector<1x16384xf32>
    %mul3A_192 = arith.mulf %mul3A_191, %get3A_67 : vector<1x16384xf32>
    %mul3A_193 = vector.broadcast %add3A_32 : f32 to vector<1x16384xf32>
    %mul3A_194 = arith.mulf %mul3A_193, %get3A_72 : vector<1x16384xf32>
    %add3A_195 = arith.addf %mul3A_192, %mul3A_194 : vector<1x16384xf32>
    %mul3A_196 = vector.broadcast %add3A_36 : f32 to vector<1x16384xf32>
    %mul3A_197 = arith.mulf %mul3A_196, %get3A_77 : vector<1x16384xf32>
    %add3A_198 = arith.addf %add3A_195, %mul3A_197 : vector<1x16384xf32>
    %mul3A_199 = vector.broadcast %get3A_10 : f32 to vector<1x16384xf32>
    %mul3A_200 = arith.mulf %mul3A_199, %get3A_82 : vector<1x16384xf32>
    %add3A_201 = arith.addf %add3A_198, %mul3A_200 : vector<1x16384xf32>
    %mul3A_202 = vector.broadcast %add3A_40 : f32 to vector<1x16384xf32>
    %mul3A_203 = arith.mulf %mul3A_202, %get3A_67 : vector<1x16384xf32>
    %mul3A_204 = vector.broadcast %add3A_43 : f32 to vector<1x16384xf32>
    %mul3A_205 = arith.mulf %mul3A_204, %get3A_72 : vector<1x16384xf32>
    %add3A_206 = arith.addf %mul3A_203, %mul3A_205 : vector<1x16384xf32>
    %mul3A_207 = vector.broadcast %add3A_49 : f32 to vector<1x16384xf32>
    %mul3A_208 = arith.mulf %mul3A_207, %get3A_77 : vector<1x16384xf32>
    %add3A_209 = arith.addf %add3A_206, %mul3A_208 : vector<1x16384xf32>
    %mul3A_210 = vector.broadcast %get3A_13 : f32 to vector<1x16384xf32>
    %mul3A_211 = arith.mulf %mul3A_210, %get3A_82 : vector<1x16384xf32>
    %add3A_212 = arith.addf %add3A_209, %mul3A_211 : vector<1x16384xf32>
    %mul3A_213 = vector.broadcast %add3A_55 : f32 to vector<1x16384xf32>
    %mul3A_214 = arith.mulf %mul3A_213, %get3A_67 : vector<1x16384xf32>
    %mul3A_215 = vector.broadcast %add3A_59 : f32 to vector<1x16384xf32>
    %mul3A_216 = arith.mulf %mul3A_215, %get3A_72 : vector<1x16384xf32>
    %add3A_217 = arith.addf %mul3A_214, %mul3A_216 : vector<1x16384xf32>
    %mul3A_218 = vector.broadcast %add3A_62 : f32 to vector<1x16384xf32>
    %mul3A_219 = arith.mulf %mul3A_218, %get3A_77 : vector<1x16384xf32>
    %add3A_220 = arith.addf %add3A_217, %mul3A_219 : vector<1x16384xf32>
    %mul3A_221 = vector.broadcast %get3A_16 : f32 to vector<1x16384xf32>
    %mul3A_222 = arith.mulf %mul3A_221, %get3A_82 : vector<1x16384xf32>
    %add3A_223 = arith.addf %add3A_220, %mul3A_222 : vector<1x16384xf32>
    %sub3A_224 = arith.subf %add3A_201, %add3A_109 : vector<1x16384xf32>
    %sub3A_225 = arith.subf %add3A_212, %add3A_136 : vector<1x16384xf32>
    %sub3A_226 = arith.subf %add3A_223, %add3A_163 : vector<1x16384xf32>
    %sub3A_227 = arith.subf %get3A_82, %add3A_190 : vector<1x16384xf32>
    %mul3A_228 = arith.mulf %sub3A_224, %sub3A_224 : vector<1x16384xf32>
    %mul3A_229 = arith.mulf %sub3A_225, %sub3A_225 : vector<1x16384xf32>
    %add3A_230 = arith.addf %mul3A_228, %mul3A_229 : vector<1x16384xf32>
    %mul3A_231 = arith.mulf %sub3A_226, %sub3A_226 : vector<1x16384xf32>
    %add3A_232 = arith.addf %add3A_230, %mul3A_231 : vector<1x16384xf32>
    %mul3A_233 = arith.mulf %sub3A_227, %sub3A_227 : vector<1x16384xf32>
    %add3A_234 = arith.addf %add3A_232, %mul3A_233 : vector<1x16384xf32>
    %sqrt3A_235 = math.sqrt %add3A_234 : vector<1x16384xf32>
    %reduce_sum3A = vector.shape_cast %sqrt3A_235 : vector<1x16384xf32> to vector<1x1x16384xf32>
    %reduce_sum3A_236 = arith.constant dense<0.000000e+00> : vector<1xf32>
    %reduce_sum3A_237 = vector.multi_reduction <add>, %reduce_sum3A, %reduce_sum3A_236 [1, 2] : vector<1x1x16384xf32> to vector<1xf32>
    %reduce_sum3A_238 = vector.shape_cast %reduce_sum3A_237 : vector<1xf32> to vector<1x1x1xf32>
    %reduce_sum3A_239 = vector.extract %reduce_sum3A_238[0, 0, 0] : f32 from vector<1x1x1xf32>
    %reshape3A = vector.broadcast %reduce_sum3A_239 : f32 to vector<1x1x1xf32>
    %swap3A = arith.constant 0 : index
    %swap3A_240 = arith.constant 0 : index
    %swap3A_241 = arith.constant 0 : index
    %swap3A_242 = vector.load %arg8[%swap3A, %swap3A_240, %swap3A_241] : memref<1x1x1xf32, #tpu.memory_space<vmem>>, vector<1x1x1xf32>
    tpu.vector_store %arg8[%swap3A, %swap3A_240, %swap3A_241], %reshape3A {strides = array<i32>} : memref<1x1x1xf32, #tpu.memory_space<vmem>>, vector<1x1x1xf32>,
    %get3A_243 = arith.constant 0 : index
    %get3A_244 = arith.constant 0 : index
    %get3A_245 = memref.load %arg2[%get3A_243, %get3A_244] : memref<3x3xf32, #tpu.memory_space<smem>>
    %mul3A_246 = vector.broadcast %get3A_245 : f32 to vector<1x16384xf32>
    %mul3A_247 = arith.mulf %mul3A_246, %add3A_201 : vector<1x16384xf32>
    %get3A_248 = arith.constant 0 : index
    %get3A_249 = arith.constant 1 : index
    %get3A_250 = memref.load %arg2[%get3A_248, %get3A_249] : memref<3x3xf32, #tpu.memory_space<smem>>
    %mul3A_251 = vector.broadcast %get3A_250 : f32 to vector<1x16384xf32>
    %mul3A_252 = arith.mulf %mul3A_251, %add3A_212 : vector<1x16384xf32>
    %add3A_253 = arith.addf %mul3A_247, %mul3A_252 : vector<1x16384xf32>
    %get3A_254 = arith.constant 0 : index
    %get3A_255 = arith.constant 2 : index
    %get3A_256 = memref.load %arg2[%get3A_254, %get3A_255] : memref<3x3xf32, #tpu.memory_space<smem>>
    %mul3A_257 = vector.broadcast %get3A_256 : f32 to vector<1x16384xf32>
    %mul3A_258 = arith.mulf %mul3A_257, %add3A_223 : vector<1x16384xf32>
    %add3A_259 = arith.addf %add3A_253, %mul3A_258 : vector<1x16384xf32>
    %get3A_260 = arith.constant 1 : index
    %get3A_261 = arith.constant 0 : index
    %get3A_262 = memref.load %arg2[%get3A_260, %get3A_261] : memref<3x3xf32, #tpu.memory_space<smem>>
    %mul3A_263 = vector.broadcast %get3A_262 : f32 to vector<1x16384xf32>
    %mul3A_264 = arith.mulf %mul3A_263, %add3A_201 : vector<1x16384xf32>
    %get3A_265 = arith.constant 1 : index
    %get3A_266 = arith.constant 1 : index
    %get3A_267 = memref.load %arg2[%get3A_265, %get3A_266] : memref<3x3xf32, #tpu.memory_space<smem>>
    %mul3A_268 = vector.broadcast %get3A_267 : f32 to vector<1x16384xf32>
    %mul3A_269 = arith.mulf %mul3A_268, %add3A_212 : vector<1x16384xf32>
    %add3A_270 = arith.addf %mul3A_264, %mul3A_269 : vector<1x16384xf32>
    %get3A_271 = arith.constant 1 : index
    %get3A_272 = arith.constant 2 : index
    %get3A_273 = memref.load %arg2[%get3A_271, %get3A_272] : memref<3x3xf32, #tpu.memory_space<smem>>
    %mul3A_274 = vector.broadcast %get3A_273 : f32 to vector<1x16384xf32>
    %mul3A_275 = arith.mulf %mul3A_274, %add3A_223 : vector<1x16384xf32>
    %add3A_276 = arith.addf %add3A_270, %mul3A_275 : vector<1x16384xf32>
    %get3A_277 = arith.constant 2 : index
    %get3A_278 = arith.constant 0 : index
    %get3A_279 = memref.load %arg2[%get3A_277, %get3A_278] : memref<3x3xf32, #tpu.memory_space<smem>>
    %mul3A_280 = vector.broadcast %get3A_279 : f32 to vector<1x16384xf32>
    %mul3A_281 = arith.mulf %mul3A_280, %add3A_201 : vector<1x16384xf32>
    %get3A_282 = arith.constant 2 : index
    %get3A_283 = arith.constant 1 : index
    %get3A_284 = memref.load %arg2[%get3A_282, %get3A_283] : memref<3x3xf32, #tpu.memory_space<smem>>
    %mul3A_285 = vector.broadcast %get3A_284 : f32 to vector<1x16384xf32>
    %mul3A_286 = arith.mulf %mul3A_285, %add3A_212 : vector<1x16384xf32>
    %add3A_287 = arith.addf %mul3A_281, %mul3A_286 : vector<1x16384xf32>
    %get3A_288 = arith.constant 2 : index
    %get3A_289 = arith.constant 2 : index
    %get3A_290 = memref.load %arg2[%get3A_288, %get3A_289] : memref<3x3xf32, #tpu.memory_space<smem>>
    %mul3A_291 = vector.broadcast %get3A_290 : f32 to vector<1x16384xf32>
    %mul3A_292 = arith.mulf %mul3A_291, %add3A_223 : vector<1x16384xf32>
    %add3A_293 = arith.addf %add3A_287, %mul3A_292 : vector<1x16384xf32>
    %div3A_294 = arith.divf %add3A_259, %add3A_293 : vector<1x16384xf32>
    %jit3A = arith.constant 0.000000e+00 : f32
    %jit3A_295 = arith.constant 1.241000e+03 : f32
    %max3A = vector.broadcast %jit3A : f32 to vector<1x16384xf32>
    %max3A_296 = arith.maximumf %max3A, %div3A_294 : vector<1x16384xf32>
    %min3A = vector.broadcast %jit3A_295 : f32 to vector<1x16384xf32>
    %min3A_297 = arith.minimumf %min3A, %max3A_296 : vector<1x16384xf32>
    %div3A_298 = arith.divf %add3A_276, %add3A_293 : vector<1x16384xf32>
    %jit3A_299 = arith.constant 0.000000e+00 : f32
    %jit3A_300 = arith.constant 3.740000e+02 : f32
    %max3A_301 = vector.broadcast %jit3A_299 : f32 to vector<1x16384xf32>
    %max3A_302 = arith.maximumf %max3A_301, %div3A_298 : vector<1x16384xf32>
    %min3A_303 = vector.broadcast %jit3A_300 : f32 to vector<1x16384xf32>
    %min3A_304 = arith.minimumf %min3A_303, %max3A_302 : vector<1x16384xf32>
    %convert_element_type3A = arith.fptosi %min3A_297 : vector<1x16384xf32> to vector<1x16384xi32>
    %gt3A = arith.constant 0.000000e+00 : f32
    %gt3A_305 = vector.broadcast %gt3A : f32 to vector<1x16384xf32>
    %gt3A_306 = arith.cmpf ogt, %add3A_293, %gt3A_305 : vector<1x16384xf32>
    %convert_element_type3A_307 = arith.fptosi %min3A_304 : vector<1x16384xf32> to vector<1x16384xi32>
    %jit3A_308 = arith.constant 375 : i32
    %broadcast_in_dim3A = vector.broadcast %jit3A_308 : i32 to vector<1x16384xi32>
    %select_n3A = arith.select %gt3A_306, %convert_element_type3A_307, %broadcast_in_dim3A : vector<1x16384xi1>, vector<1x16384xi32>
    %mul3A_309 = arith.constant 1280 : i32
    %mul3A_310 = vector.broadcast %mul3A_309 : i32 to vector<1x16384xi32>
    %mul3A_311 = arith.muli %select_n3A, %mul3A_310 : vector<1x16384xi32>
    %add3A_312 = arith.addi %mul3A_311, %convert_element_type3A : vector<1x16384xi32>
    %reshape3A_313 = vector.shape_cast %add3A_312 : vector<1x16384xi32> to vector<1x1x16384xi32>
    %swap3A_314 = arith.constant 0 : index
    %swap3A_315 = arith.constant 0 : index
    %swap3A_316 = arith.constant 0 : index
    %swap3A_317 = vector.load %arg6[%swap3A_314, %swap3A_315, %swap3A_316] : memref<1x1x16384xi32, #tpu.memory_space<vmem>>, vector<1x1x16384xi32>
    tpu.vector_store %arg6[%swap3A_314, %swap3A_315, %swap3A_316], %reshape3A_313 {strides = array<i32>} : memref<1x1x16384xi32, #tpu.memory_space<vmem>>, vector<1x1x16384xi32>,
    %reshape3A_318 = vector.shape_cast %add3A_293 : vector<1x16384xf32> to vector<1x1x16384xf32>
    %swap3A_319 = arith.constant 0 : index
    %swap3A_320 = arith.constant 0 : index
    %swap3A_321 = arith.constant 0 : index
    %swap3A_322 = vector.load %arg7[%swap3A_319, %swap3A_320, %swap3A_321] : memref<1x1x16384xf32, #tpu.memory_space<vmem>>, vector<1x1x16384xf32>
    tpu.vector_store %arg7[%swap3A_319, %swap3A_320, %swap3A_321], %reshape3A_318 {strides = array<i32>} : memref<1x1x16384xf32, #tpu.memory_space<vmem>>, vector<1x1x16384xf32>,
    return
  }
  func.func @transform_0(%arg0: i32) -> (i32, i32, i32) {
    %c0_i32 = arith.constant 0 : i32
    %c0_i32_0 = arith.constant 0 : i32
    %c0_i32_1 = arith.constant 0 : i32
    %c0_i32_2 = arith.constant 0 : i32
    return %c0_i32, %c0_i32_0, %c0_i32_1 : i32, i32, i32
  }
  func.func @transform_1(%arg0: i32) -> (i32, i32) {
    %c0_i32 = arith.constant 0 : i32
    %c0_i32_0 = arith.constant 0 : i32
    %c0_i32_1 = arith.constant 0 : i32
    return %c0_i32, %c0_i32_0 : i32, i32
  }
  func.func @transform_2(%arg0: i32) -> (i32, i32) {
    %c0_i32 = arith.constant 0 : i32
    %c0_i32_0 = arith.constant 0 : i32
    %c0_i32_1 = arith.constant 0 : i32
    return %c0_i32, %c0_i32_0 : i32, i32
  }
  func.func @transform_3(%arg0: i32) -> (i32, i32) {
    %c0_i32 = arith.constant 0 : i32
    %c0_i32_0 = arith.constant 0 : i32
    %c0_i32_1 = arith.constant 0 : i32
    return %c0_i32, %c0_i32_0 : i32, i32
  }
  func.func @transform_4(%arg0: i32) -> (i32, i32, i32) {
    %c0_i32 = arith.constant 0 : i32
    %c0_i32_0 = arith.constant 0 : i32
    %c0_i32_1 = arith.constant 0 : i32
    return %arg0, %c0_i32, %c0_i32_0 : i32, i32, i32
  }
  func.func @transform_5(%arg0: i32) -> (i32, i32, i32) {
    %c0_i32 = arith.constant 0 : i32
    %c0_i32_0 = arith.constant 0 : i32
    %c0_i32_1 = arith.constant 0 : i32
    return %arg0, %c0_i32, %c0_i32_0 : i32, i32, i32
  }
  func.func @transform_6(%arg0: i32) -> (i32, i32, i32) {
    %c0_i32 = arith.constant 0 : i32
    %c0_i32_0 = arith.constant 0 : i32
    %c0_i32_1 = arith.constant 0 : i32
    return %arg0, %c0_i32, %c0_i32_0 : i32, i32, i32
  }
  func.func @transform_7(%arg0: i32) -> (i32, i32, i32) {
    %c0_i32 = arith.constant 0 : i32
    %c0_i32_0 = arith.constant 0 : i32
    %c0_i32_1 = arith.constant 0 : i32
    return %arg0, %c0_i32, %c0_i32_0 : i32, i32, i32
  }
}

module attributes {stable_mosaic.version = 14 : i64} {
  func.func @_stage3_body(%arg0: i32, %arg1: memref<1x376x1280xf32, #tpu.memory_space<vmem>>, %arg2: memref<1x376x1280xf32, #tpu.memory_space<vmem>>, %arg3: memref<1x1x375x1242xf32, #tpu.memory_space<vmem>>, %arg4: memref<1x1x1xf32, #tpu.memory_space<vmem>>) attributes {dimension_semantics = [#tpu.dimension_semantics<arbitrary>], iteration_bounds = array<i64: 16>, scalar_prefetch = 0 : i64, scratch_operands = 0 : i64, tpu.core_type = #tpu.core_type<tc>, window_params = [{transform_indices = @transform_0, window_bounds = array<i64: 1, 376, 1280>}, {transform_indices = @transform_1, window_bounds = array<i64: 1, 376, 1280>}, {transform_indices = @transform_2, window_bounds = array<i64: 1, 1, 375, 1242>}, {transform_indices = @transform_3, window_bounds = array<i64: 1, 1, 1>}]} {
    %get3A = arith.constant 0 : index
    %get3A_0 = arith.constant 0 : index
    %get3A_1 = arith.constant 0 : index
    %get3A_2 = vector.load %arg1[%get3A, %get3A_0, %get3A_1] : memref<1x376x1280xf32, #tpu.memory_space<vmem>>, vector<1x375x1242xf32>
    %get3A_3 = vector.shape_cast %get3A_2 : vector<1x375x1242xf32> to vector<375x1242xf32>
    %get3A_4 = arith.constant 0 : index
    %get3A_5 = arith.constant 0 : index
    %get3A_6 = arith.constant 0 : index
    %get3A_7 = vector.load %arg2[%get3A_4, %get3A_5, %get3A_6] : memref<1x376x1280xf32, #tpu.memory_space<vmem>>, vector<1x375x1242xf32>
    %get3A_8 = vector.shape_cast %get3A_7 : vector<1x375x1242xf32> to vector<375x1242xf32>
    %get3A_9 = arith.constant 0 : index
    %get3A_10 = arith.constant 0 : index
    %get3A_11 = arith.constant 0 : index
    %get3A_12 = arith.constant 0 : index
    %get3A_13 = vector.load %arg3[%get3A_9, %get3A_10, %get3A_11, %get3A_12] : memref<1x1x375x1242xf32, #tpu.memory_space<vmem>>, vector<1x1x375x1242xf32>
    %get3A_14 = vector.shape_cast %get3A_13 : vector<1x1x375x1242xf32> to vector<375x1242xf32>
    %gt3A = arith.constant 5.000000e-01 : f32
    %gt3A_15 = vector.broadcast %gt3A : f32 to vector<375x1242xf32>
    %gt3A_16 = arith.cmpf ogt, %get3A_3, %gt3A_15 : vector<375x1242xf32>
    %div3A = arith.divf %get3A_8, %get3A_3 : vector<375x1242xf32>
    %jit3A = arith.constant 0.000000e+00 : f32
    %broadcast_in_dim3A = vector.broadcast %jit3A : f32 to vector<375x1242xf32>
    %select_n3A = arith.select %gt3A_16, %div3A, %broadcast_in_dim3A : vector<375x1242xi1>, vector<375x1242xf32>
    %sub3A = arith.subf %select_n3A, %get3A_14 : vector<375x1242xf32>
    %mul3A = arith.mulf %sub3A, %sub3A : vector<375x1242xf32>
    %reduce_sum3A = arith.constant dense<0.000000e+00> : vector<1242xf32>
    %reduce_sum3A_17 = vector.multi_reduction <add>, %mul3A, %reduce_sum3A [0] : vector<375x1242xf32> to vector<1242xf32>
    %sqrt3A = math.sqrt %reduce_sum3A_17 : vector<1242xf32>
    %reduce_sum3A_18 = vector.shape_cast %sqrt3A : vector<1242xf32> to vector<1x1242xf32>
    %reduce_sum3A_19 = arith.constant dense<0.000000e+00> : vector<1xf32>
    %reduce_sum3A_20 = vector.multi_reduction <add>, %reduce_sum3A_18, %reduce_sum3A_19 [1] : vector<1x1242xf32> to vector<1xf32>
    %reduce_sum3A_21 = vector.shape_cast %reduce_sum3A_20 : vector<1xf32> to vector<1x1xf32>
    %reduce_sum3A_22 = vector.extract %reduce_sum3A_21[0, 0] : f32 from vector<1x1xf32>
    %div3A_23 = arith.constant 1.242000e+03 : f32
    %div3A_24 = arith.divf %reduce_sum3A_22, %div3A_23 : f32
    %reshape3A = vector.broadcast %div3A_24 : f32 to vector<1x1x1xf32>
    %swap3A = arith.constant 0 : index
    %swap3A_25 = arith.constant 0 : index
    %swap3A_26 = arith.constant 0 : index
    %swap3A_27 = vector.load %arg4[%swap3A, %swap3A_25, %swap3A_26] : memref<1x1x1xf32, #tpu.memory_space<vmem>>, vector<1x1x1xf32>
    tpu.vector_store %arg4[%swap3A, %swap3A_25, %swap3A_26], %reshape3A {strides = array<i32>} : memref<1x1x1xf32, #tpu.memory_space<vmem>>, vector<1x1x1xf32>,
    return
  }
  func.func @transform_0(%arg0: i32) -> (i32, i32, i32) {
    %c0_i32 = arith.constant 0 : i32
    %c0_i32_0 = arith.constant 0 : i32
    %c0_i32_1 = arith.constant 0 : i32
    return %arg0, %c0_i32, %c0_i32_0 : i32, i32, i32
  }
  func.func @transform_1(%arg0: i32) -> (i32, i32, i32) {
    %c0_i32 = arith.constant 0 : i32
    %c0_i32_0 = arith.constant 0 : i32
    %c0_i32_1 = arith.constant 0 : i32
    return %arg0, %c0_i32, %c0_i32_0 : i32, i32, i32
  }
  func.func @transform_2(%arg0: i32) -> (i32, i32, i32, i32) {
    %c0_i32 = arith.constant 0 : i32
    %c0_i32_0 = arith.constant 0 : i32
    %c0_i32_1 = arith.constant 0 : i32
    %c0_i32_2 = arith.constant 0 : i32
    return %arg0, %c0_i32, %c0_i32_0, %c0_i32_1 : i32, i32, i32, i32
  }
  func.func @transform_3(%arg0: i32) -> (i32, i32, i32) {
    %c0_i32 = arith.constant 0 : i32
    %c0_i32_0 = arith.constant 0 : i32
    %c0_i32_1 = arith.constant 0 : i32
    return %arg0, %c0_i32, %c0_i32_0 : i32, i32, i32
  }
}

module attributes {stable_mosaic.version = 14 : i64} {
  func.func @_stage4_body(%arg0: memref<16x1x1xf32, #tpu.memory_space<vmem>>, %arg1: memref<16x1x1xf32, #tpu.memory_space<vmem>>, %arg2: memref<16x3xf32, #tpu.memory_space<vmem>>, %arg3: memref<16x3xf32, #tpu.memory_space<vmem>>, %arg4: memref<16x3xf32, #tpu.memory_space<vmem>>, %arg5: memref<16x3xf32, #tpu.memory_space<vmem>>, %arg6: memref<1x1xf32, #tpu.memory_space<vmem>>, %arg7: memref<1x1xf32, #tpu.memory_space<vmem>>, %arg8: memref<1x1xf32, #tpu.memory_space<vmem>>, %arg9: memref<1x1xf32, #tpu.memory_space<vmem>>) attributes {dimension_semantics = [], scalar_prefetch = 0 : i64, scratch_operands = 0 : i64, tpu.core_type = #tpu.core_type<tc>} {
    %get3A = arith.constant 0 : index
    %get3A_0 = arith.constant 0 : index
    %get3A_1 = arith.constant 0 : index
    %get3A_2 = vector.load %arg0[%get3A, %get3A_0, %get3A_1] : memref<16x1x1xf32, #tpu.memory_space<vmem>>, vector<16x1x1xf32>
    %reduce_sum3A = vector.shape_cast %get3A_2 : vector<16x1x1xf32> to vector<1x16x1x1xf32>
    %reduce_sum3A_3 = arith.constant dense<0.000000e+00> : vector<1xf32>
    %reduce_sum3A_4 = vector.multi_reduction <add>, %reduce_sum3A, %reduce_sum3A_3 [1, 2, 3] : vector<1x16x1x1xf32> to vector<1xf32>
    %reduce_sum3A_5 = vector.shape_cast %reduce_sum3A_4 : vector<1xf32> to vector<1x1x1x1xf32>
    %reduce_sum3A_6 = vector.extract %reduce_sum3A_5[0, 0, 0, 0] : f32 from vector<1x1x1x1xf32>
    %div3A = arith.constant 1.600000e+01 : f32
    %div3A_7 = arith.divf %reduce_sum3A_6, %div3A : f32
    %get3A_8 = arith.constant 0 : index
    %get3A_9 = arith.constant 0 : index
    %get3A_10 = arith.constant 0 : index
    %get3A_11 = vector.load %arg1[%get3A_8, %get3A_9, %get3A_10] : memref<16x1x1xf32, #tpu.memory_space<vmem>>, vector<16x1x1xf32>
    %reduce_sum3A_12 = vector.shape_cast %get3A_11 : vector<16x1x1xf32> to vector<1x16x1x1xf32>
    %reduce_sum3A_13 = arith.constant dense<0.000000e+00> : vector<1xf32>
    %reduce_sum3A_14 = vector.multi_reduction <add>, %reduce_sum3A_12, %reduce_sum3A_13 [1, 2, 3] : vector<1x16x1x1xf32> to vector<1xf32>
    %reduce_sum3A_15 = vector.shape_cast %reduce_sum3A_14 : vector<1xf32> to vector<1x1x1x1xf32>
    %reduce_sum3A_16 = vector.extract %reduce_sum3A_15[0, 0, 0, 0] : f32 from vector<1x1x1x1xf32>
    %div3A_17 = arith.constant 1.600000e+01 : f32
    %div3A_18 = arith.divf %reduce_sum3A_16, %div3A_17 : f32
    %get3A_19 = arith.constant 0 : index
    %get3A_20 = arith.constant 0 : index
    %get3A_21 = vector.load %arg3[%get3A_19, %get3A_20] : memref<16x3xf32, #tpu.memory_space<vmem>>, vector<16x3xf32>
    %get3A_22 = arith.constant 0 : index
    %get3A_23 = arith.constant 0 : index
    %get3A_24 = vector.load %arg2[%get3A_22, %get3A_23] : memref<16x3xf32, #tpu.memory_space<vmem>>, vector<16x3xf32>
    %sub3A = arith.subf %get3A_21, %get3A_24 : vector<16x3xf32>
    %get3A_25 = arith.constant 0 : index
    %get3A_26 = arith.constant 0 : index
    %get3A_27 = vector.load %arg5[%get3A_25, %get3A_26] : memref<16x3xf32, #tpu.memory_space<vmem>>, vector<16x3xf32>
    %get3A_28 = arith.constant 0 : index
    %get3A_29 = arith.constant 0 : index
    %get3A_30 = vector.load %arg4[%get3A_28, %get3A_29] : memref<16x3xf32, #tpu.memory_space<vmem>>, vector<16x3xf32>
    %sub3A_31 = arith.subf %get3A_27, %get3A_30 : vector<16x3xf32>
    %mul3A = arith.mulf %sub3A, %sub3A : vector<16x3xf32>
    %reduce_sum3A_32 = vector.shape_cast %mul3A : vector<16x3xf32> to vector<1x16x3xf32>
    %reduce_sum3A_33 = arith.constant dense<0.000000e+00> : vector<1xf32>
    %reduce_sum3A_34 = vector.multi_reduction <add>, %reduce_sum3A_32, %reduce_sum3A_33 [1, 2] : vector<1x16x3xf32> to vector<1xf32>
    %reduce_sum3A_35 = vector.shape_cast %reduce_sum3A_34 : vector<1xf32> to vector<1x1x1xf32>
    %reduce_sum3A_36 = vector.extract %reduce_sum3A_35[0, 0, 0] : f32 from vector<1x1x1xf32>
    %div3A_37 = arith.constant 1.600000e+01 : f32
    %div3A_38 = arith.divf %reduce_sum3A_36, %div3A_37 : f32
    %mul3A_39 = arith.mulf %sub3A_31, %sub3A_31 : vector<16x3xf32>
    %reduce_sum3A_40 = vector.shape_cast %mul3A_39 : vector<16x3xf32> to vector<1x16x3xf32>
    %reduce_sum3A_41 = arith.constant dense<0.000000e+00> : vector<1xf32>
    %reduce_sum3A_42 = vector.multi_reduction <add>, %reduce_sum3A_40, %reduce_sum3A_41 [1, 2] : vector<1x16x3xf32> to vector<1xf32>
    %reduce_sum3A_43 = vector.shape_cast %reduce_sum3A_42 : vector<1xf32> to vector<1x1x1xf32>
    %reduce_sum3A_44 = vector.extract %reduce_sum3A_43[0, 0, 0] : f32 from vector<1x1x1xf32>
    %div3A_45 = arith.constant 1.600000e+01 : f32
    %div3A_46 = arith.divf %reduce_sum3A_44, %div3A_45 : f32
    %mul3A_47 = arith.constant 2.000000e+00 : f32
    %mul3A_48 = arith.mulf %mul3A_47, %div3A_46 : f32
    %add3A = arith.addf %div3A_38, %mul3A_48 : f32
    %mul3A_49 = arith.constant 4.000000e+00 : f32
    %mul3A_50 = arith.mulf %mul3A_49, %add3A : f32
    %mul3A_51 = arith.constant 1.000000e+00 : f32
    %mul3A_52 = arith.mulf %mul3A_51, %div3A_7 : f32
    %add3A_53 = arith.addf %mul3A_50, %mul3A_52 : f32
    %mul3A_54 = arith.constant 4.000000e+01 : f32
    %mul3A_55 = arith.mulf %mul3A_54, %div3A_18 : f32
    %add3A_56 = arith.addf %add3A_53, %mul3A_55 : f32
    %reshape3A = vector.broadcast %add3A_56 : f32 to vector<1x1xf32>
    %swap3A = arith.constant 0 : index
    %swap3A_57 = arith.constant 0 : index
    %swap3A_58 = vector.load %arg6[%swap3A, %swap3A_57] : memref<1x1xf32, #tpu.memory_space<vmem>>, vector<1x1xf32>
    tpu.vector_store %arg6[%swap3A, %swap3A_57], %reshape3A {strides = array<i32>} : memref<1x1xf32, #tpu.memory_space<vmem>>, vector<1x1xf32>,
    %reshape3A_59 = vector.broadcast %add3A : f32 to vector<1x1xf32>
    %swap3A_60 = arith.constant 0 : index
    %swap3A_61 = arith.constant 0 : index
    %swap3A_62 = vector.load %arg7[%swap3A_60, %swap3A_61] : memref<1x1xf32, #tpu.memory_space<vmem>>, vector<1x1xf32>
    tpu.vector_store %arg7[%swap3A_60, %swap3A_61], %reshape3A_59 {strides = array<i32>} : memref<1x1xf32, #tpu.memory_space<vmem>>, vector<1x1xf32>,
    %reshape3A_63 = vector.broadcast %div3A_7 : f32 to vector<1x1xf32>
    %swap3A_64 = arith.constant 0 : index
    %swap3A_65 = arith.constant 0 : index
    %swap3A_66 = vector.load %arg8[%swap3A_64, %swap3A_65] : memref<1x1xf32, #tpu.memory_space<vmem>>, vector<1x1xf32>
    tpu.vector_store %arg8[%swap3A_64, %swap3A_65], %reshape3A_63 {strides = array<i32>} : memref<1x1xf32, #tpu.memory_space<vmem>>, vector<1x1xf32>,
    %reshape3A_67 = vector.broadcast %div3A_18 : f32 to vector<1x1xf32>
    %swap3A_68 = arith.constant 0 : index
    %swap3A_69 = arith.constant 0 : index
    %swap3A_70 = vector.load %arg9[%swap3A_68, %swap3A_69] : memref<1x1xf32, #tpu.memory_space<vmem>>, vector<1x1xf32>
    tpu.vector_store %arg9[%swap3A_68, %swap3A_69], %reshape3A_67 {strides = array<i32>} : memref<1x1xf32, #tpu.memory_space<vmem>>, vector<1x1xf32>,
    return
  }
}

</mosaic_0001>

<sc_bundles>
// kernel: kernel.6.cloned.1.call-start
scs
__scs_entry_jumppad:
0x0: {  	(pc) =	sbr.rel $0x88, $3  }
0x1: {  	(tag) =	ssettag $0x0;
	lr =	simm.s32 $0x1  }
0x2: {  	[smem:$0x3F99] =	sst lr;
	_ =	strace $0xD0000000  }
0x3: {  	_ = 	snop  }
0x4: {  	_ = 	snop  }
0x5: {  	_ = 	snop  }
0x6: {  	_ = 	snop  }
0x7: {  	_ = 	snop  }
__scs_overlays_trampoline_lowered:
0x8: {  	[smem:$0x3FA8] =	sst s0  }
0x9: {  	[smem:$0x3FA9] =	sst s1  }
0xa: {  	[smem:$0x3FAA] =	sst s2  }
0xb: {  	[smem:$0x3FAB] =	sst s3  }
0xc: {  	[smem:$0x3FAC] =	sst s4  }
0xd: {  	[smem:$0x3FAD] =	sst s5  }
0xe: {  	[smem:$0x3FAE] =	sst s6  }
0xf: {  	[smem:$0x3FAF] =	sst s7  }
0x10: {  	[smem:$0x3FB0] =	sst s8  }
0x11: {  	[smem:$0x3FB1] =	sst s9;
	s0 =	simm.s32 @!p0 $0x0  }
0x12: {  	s1 =	sld [smem:$0x3F97];
	s0 =	simm.s32 @p0 $0x1  }
0x13: {  	[smem:$0x3FB2] =	sst s0;
	s0 =	simm.s32 @!p1 $0x0  }
0x14: {  	s2 =	sld [smem:$0x3F96];
	s0 =	simm.s32 @p1 $0x1  }
0x15: {  	[smem:$0x3FB3] =	sst s0;
	s0 =	simm.s32 @!p2 $0x0  }
0x16: {  	s3 =	sld [smem:$0x3FDB];
	s0 =	simm.s32 @p2 $0x1  }
0x17: {  	s4 =	simm.s32 $0x1BF5;
	[smem:$0x3FB5] =	sst s0  }
0x18: {  	s0 =	sld [smem:$0x3F98];
	_ =	swait.ge [sflag:s4], $0x0  }
0x19: {  	s7 =	sld [smem:$0x3F99]  }
0x1a: {  	s8 =	sadd.s32 $0xFFFFE003, lr  }
0x1b: {  	s9 =	sadd.s32 $0xFFFFFEF7, lr;
	s5 =	simm.s32 $0xFFFFFFFF;
	p2 =	slt.u32 s8, $0xFFFFF086  }
0x1c: {  	p1 =	slt.u32 s9, $0xF7A;
	s5 =	simm.s32 @!p2 $0x0  }
0x1d: {  	s5 =	simm.s32 @p1 $0x1;
	p0 =	seq.s32 s7, s2  }
0x1e: {  	s7 =	smul.u32 @!p0 $0xF7A, s2;
	p2 =	seq.s32 @!p0 s5, $0x0  }
0x1f: {  	s9 =	smul.u32 $0xF7A, s1;
	s8 =	simm.s32 @!p0 $0x1BF5;
	p2 =	por !p2, p0  }
0x20: {  	[sflag:s8] =	ssyncset.s32 @!p0 $0xFFFFF086;
	s6 =	sadd.s32 @!p0 s3, s7;
	s7 =	simm.s32 @!p0 $0x108  }
0x21: {  	s3 =	sadd.s32 s3, s9;
	s6 =	sadd.s32 @!p0 $0x88, s6;
	s7 =	simm.s32 @p2 $0x1082  }
0x22: {  	[simem:s7], [sflag:s8] =	dma.local @!p0 [hbm:s6], $0xF7A  }
0x23: {  	s9 =	sor.u32 $0xD0000000, s2;
	s6 =	simm.s32 $0x108;
	_ =	swait.ge @!p0 [sflag:s8], $0x0  }
0x24: {  	s3 =	sadd.s32 $0x88, s3;
	s6 =	simm.s32 @!p1 $0x1082;
	[sflag:s4] =	ssyncset.s32 $0xFFFFF086  }
0x25: {  	[simem:s6], [sflag:s4] =	dma.local [hbm:s3], $0xF7A  }
0x26: {  	[smem:$0x3F99] =	sst s1;
	(tag) =	ssettag s2;
	_ =	strace s9  }
0x27: {  	s1 =	sld [smem:$0x3FA9]  }
0x28: {  	s2 =	sld [smem:$0x3FAA]  }
0x29: {  	s4 =	sld [smem:$0x3FAC]  }
0x2a: {  	p0 =	seq.s32 s5, $0x0;
	s5 =	sld [smem:$0x3FAD]  }
0x2b: {  	s6 =	sld [smem:$0x3FAE]  }
0x2c: {  	s7 =	sld [smem:$0x3FAF]  }
0x2d: {  	s3 =	simm.s32 $0x108;
	s8 =	sld [smem:$0x3FB0]  }
0x2e: {  	s3 =	simm.s32 @!p0 $0x1082;
	s9 =	sld [smem:$0x3FB1]  }
0x2f: {  	lr =	sadd.s32 s0, s3;
	s0 =	sld [smem:$0x3FA8]  }
0x30: {  	s3 =	sld [smem:$0x3FAB]  }
0x31: {  	[smem:$0x3FB4] =	sst s10  }
0x32: {  	s10 =	sld [smem:$0x3FB2];
	_ =	sdelay $0x3  }
0x33: {  	p0 =	seq.s32 s10, $0x1;
	s10 =	sld [smem:$0x3FB4];
	_ =	sdelay $0x3  }
0x34: {  	[smem:$0x3FB4] =	sst s10  }
0x35: {  	s10 =	sld [smem:$0x3FB3];
	_ =	sdelay $0x3  }
0x36: {  	p1 =	seq.s32 s10, $0x1;
	s10 =	sld [smem:$0x3FB4];
	_ =	sdelay $0x3  }
0x37: {  	[smem:$0x3FB4] =	sst s10  }
0x38: {  	s10 =	sld [smem:$0x3FB5]  }
0x39: {  	_ = 	snop;
	(pc) =	sbr.ind lr, $3  }
0x3a: {  	_ = 	snop  }
0x3b: {  	_ = 	snop  }
0x3c: {  	p2 =	seq.s32 s10, $0x1;
	s10 =	sld [smem:$0x3FB4]  }
0x3d: {  	_ =	shalt  }
0x3e: {  	_ =	shalt  }
0x3f: {  	_ =	shalt  }
0x40: {  	_ =	shalt  }
0x41: {  	_ =	shalt  }
0x42: {  	_ =	shalt  }
0x43: {  	_ =	shalt  }
0x44: {  	_ =	shalt  }
0x45: {  	_ =	shalt  }
0x46: {  	_ =	shalt  }
0x47: {  	_ =	shalt  }
0x48: {  	_ =	shalt  }
0x49: {  	_ =	shalt  }
0x4a: {  	_ =	shalt  }
0x4b: {  	_ =	shalt  }
0x4c: {  	_ =	shalt  }
0x4d: {  	_ =	shalt  }
0x4e: {  	_ =	shalt  }
0x4f: {  	_ =	shalt  }
0x50: {  	_ =	shalt  }
0x51: {  	_ =	shalt  }
0x52: {  	_ =	shalt  }
0x53: {  	_ =	shalt  }
0x54: {  	_ =	shalt  }
0x55: {  	_ =	shalt  }
0x56: {  	_ =	shalt  }
0x57: {  	_ =	shalt  }
0x58: {  	_ =	shalt  }
0x59: {  	_ =	shalt  }
0x5a: {  	_ =	shalt  }
0x5b: {  	_ =	shalt  }
0x5c: {  	_ =	shalt  }
0x5d: {  	_ =	shalt  }
0x5e: {  	_ =	shalt  }
0x5f: {  	_ =	shalt  }
0x60: {  	_ =	shalt  }
0x61: {  	_ =	shalt  }
0x62: {  	_ =	shalt  }
0x63: {  	_ =	shalt  }
0x64: {  	_ =	shalt  }
0x65: {  	_ =	shalt  }
0x66: {  	_ =	shalt  }
0x67: {  	_ =	shalt  }
0x68: {  	_ =	shalt  }
0x69: {  	_ =	shalt  }
0x6a: {  	_ =	shalt  }
0x6b: {  	_ =	shalt  }
0x6c: {  	_ =	shalt  }
0x6d: {  	_ =	shalt  }
0x6e: {  	_ =	shalt  }
0x6f: {  	_ =	shalt  }
0x70: {  	_ =	shalt  }
0x71: {  	_ =	shalt  }
0x72: {  	_ =	shalt  }
0x73: {  	_ =	shalt  }
0x74: {  	_ =	shalt  }
0x75: {  	_ =	shalt  }
0x76: {  	_ =	shalt  }
0x77: {  	_ =	shalt  }
0x78: {  	_ =	shalt  }
0x79: {  	_ =	shalt  }
0x7a: {  	_ =	shalt  }
0x7b: {  	_ =	shalt  }
0x7c: {  	_ =	shalt  }
0x7d: {  	_ =	shalt  }
0x7e: {  	_ =	shalt  }
0x7f: {  	_ =	shalt  }
0x80: {  	_ =	shalt  }
0x81: {  	_ =	shalt  }
0x82: {  	_ =	shalt  }
0x83: {  	_ =	shalt  }
0x84: {  	_ =	shalt  }
0x85: {  	_ =	shalt  }
0x86: {  	_ =	shalt  }
0x87: {  	_ =	shalt  }
.Lfunc_end0:
.L_simem_size_0:
called_computation_lowered:
.L_overlay_start_0:
0x88: {  	s2 =	sld [smem:$0x3FD9]  }
0x89: {  	s3 =	sld [smem:$0x3FFE];
	_ =	sdelay $0x1  }
0x8a: {  	s1 =	srdreg.scid  }
0x8b: {  	s0 =	sand.u32 $0x1, s1  }
0x8c: {  	s16 =	sshll.u32 s0, $0xA;
	s2 =	sadd.s32 s3, s2  }
0x8d: {  	s2 =	sadd.s32 s2, s16  }
0x8e: {  	[smem:$0x3FC0] =	sst s2  }
0x8f: {  	_ = 	snop  }
0x90: {  	(tm) =	ssettm $0x1  }
0x91: {  	s17 =	sld [smem:$0x3FFB];
	_ =	sdelay $0x3  }
0x92: {  	_ =	strace s17  }
0x93: {  	s2 =	sld [smem:$0x3FFC];
	_ =	sdelay $0x3  }
0x94: {  	_ =	strace s2  }
0x95: {  	s2 =	sld [smem:$0x3FFD];
	_ =	sdelay $0x3  }
0x96: {  	_ =	strace s2  }
0x97: {  	_ =	strace $0x8FFFFFFF  }
0x98: {  	s18 =	sld [smem:$0x3FDB];
	_ =	sdelay $0x1  }
0x99: {  	s19 =	simm.s32 $_scs_section_size  }
0x9a: {  	s4 =	simm.s32 $_size__tile_overlayer_lowered;
	s5 =	simm.s32 $_tile_overlayer_lowered  }
0x9b: {  	s22 =	simm.s32 $0x1BFF;
	s21 =	sshll.u32 s5, $0x1;
	s2 =	sadd.s32 s19, s18  }
0x9c: {  	s6 =	simm.s32 $0x0;
	s20 =	sshll.u32 s4, $0x1;
	s4 =	sadd.s32 s21, s2  }
0x9d: {  	[timem:s6], [sflag:s22] =	dma.local [hbm:s4], s20  }
0x9e: {  	_ =	swait.ge [sflag:s22], s20  }
0x9f: {  	s3 =	ssub.s32 $0x0, s20;
	[sflag:s22] =	ssyncset.done $0x0  }
0xa0: {  	[sflag:s22] =	ssyncadd.s32 s3;
	_ =	sdelay $0x1  }
0xa1: {  	s23 =	simm.s32 $0x1B8B  }
0xa2: {  	_ =	swait.ge [sflag:s23], $0x1  }
0xa3: {  	[sflag:s23] =	ssyncset.done $0x0  }
0xa4: {  	s25 =	simm.s32 $0x1B8E;
	s24 =	sld [smem:$0x3FFE];
	[sflag:s23] =	ssyncadd.s32 $0xFFFFFFFF  }
0xa5: {  	s26 =	simm.s32 $execute0_lowered;
	[smem:$0x3FD2] =	sst s25  }
0xa6: {  	s4 =	sshll.u32 s26, $0x1;
	_ =	strace $0x80000046;
	[dreg:$0x1] =	wrdreg $0xFFFFFFFF  }
0xa7: {  	s28 =	simm.s32 $_size_execute0_lowered;
	s2 =	sadd.s32 s2, s4;
	[dreg:$0x0] =	wrdreg $0x0  }
0xa8: {  	s4 =	sshll.u32 s28, $0x1;
	[dreg:$0x2] =	wrdreg s2  }
0xa9: {  	[dreg:$0x3] =	wrdreg s4  }
0xaa: {  	[dreg:$0x4] =	wrdreg $0xC0  }
0xab: {  	_ =	task [dreg:s6], $0x5FFFF  }
0xac: {  	[dreg:$0x1] =	wrdreg $0xFFFFFFFF  }
0xad: {  	[dreg:$0x0] =	wrdreg $0x60  }
0xae: {  	[dreg:$0x2] =	wrdreg s24  }
0xaf: {  	[dreg:$0x3] =	wrdreg $0x8D800  }
0xb0: {  	[dreg:$0x4] =	wrdreg $0x103000  }
0xb1: {  	[dreg:$0x5] =	wrdreg $0x9  }
0xb2: {  	_ =	task.clear_ibuf [dreg:s6], $0x6FFFF;
	_ =	strace $0x90000046  }
0xb3: {  	s29 =	simm.s32 $0x9;
	_ =	strace $0x80000048  }
0xb4: {  	_ =	swait.ge [sflag:s29], $0x1  }
0xb5: {  	[sflag:s29] =	ssyncadd.s32 $0xFFFFFFFF  }
0xb6: {  	_ =	strace $0x90000048  }
0xb7: {  	_ =	sfence  }
0xb8: {  	s30 =	sld [smem:$0x0];
	_ =	sdelay $0x2  }
0xb9: {  	s31 =	sshll.u32 s1, $0xD;
	s1 =	sshrl.u32 s1, $0x2  }
0xba: {  	s3 =	sand.u32 $0x4000, s31;
	s1 =	sadd.s32 s1, s30  }
0xbb: {  	s0 =	sor.u32 s3, s0;
	s1 =	sshll.u32 s1, $0x11  }
0xbc: {  	s0 =	sor.u32 s1, s0  }
0xbd: {  	s0 =	sadd.s32 $0x8F2B, s0  }
0xbe: {  	[sflag:s0] =	ssyncadd.remote.s32 $0x1  }
0xbf: {  	_ =	sfence.sel $0xFFFF  }
0xc0: {  	[dreg:$0x0] =	wrdreg $0xFFFFFFFF;
	(pc) =	sbr.abs _section_cstart, $3  }
0xc1: {  	[dreg:$0x1] =	wrdreg $0xFFFFFFFF  }
0xc2: {  	_ =	task.clear_ibuf [dreg:s6], $0x2FFFF;
	_ =	strace $0x9FFFFFFF  }
0xc3: {  	(tm) =	ssettm $0x7FFFFFFF  }
tec
execute0_lowered:
.L_overlay_start_1:
0x0: {  	(tag) =	ssettag $0x1  }
0x1: {  	s0 =	rddreg [dreg:$0x0]  }
0x2: {  	s1 =	rddreg [dreg:$0x1]  }
0x3: {  	s2 =	rddreg [dreg:$0x2];
	s4 =	simm.s32 $0x0  }
0x4: {  	s3 =	srdreg.scid;
	s13 =	stileid.u32;
	s16 =	simm.s32 $0x2  }
0x5: {  	s18 =	simm.s32 $0x80;
	s23 =	simm.s32 $0x100;
	s26 =	simm.s32 $0x180  }
0x6: {  	s30 =	simm.s32 $0x200;
	s15 =	simm.s32 $0x280;
	s17 =	simm.s32 $0x300  }
0x7: {  	s21 =	simm.s32 $0x380;
	s25 =	simm.s32 $0x1;
	s31 =	simm.s32 $0x1300  }
0x8: {  	s14 =	simm.s32 $0x1380;
	s20 =	simm.s32 $0x0;
	[smem:$0x7FF] =	sst s4  }
0x9: {  	s3 =	sand.u32 $0x1, s3;
	s5 =	sadd.s32 $0xE00, s0;
	s6 =	smul.u32 $0x7580, s13  }
0xa: {  	s7 =	sadd.s32 $0x8E00, s0;
	s8 =	sadd.s32 $0x10E00, s0;
	s10 =	ssub.s32 $0x2, s3  }
0xb: {  	s9 =	sadd.s32 $0xFBE00, s0;
	s13 =	sshll.u32 s13, $0x7;
	s11 =	sshrl.u32 s10, $0x1  }
0xc: {  	_ =	strace $0x80000047;
	s12 =	sshll.u32 s3, $0x3;
	s29 =	ssub.s32 s10, s11  }
0xd: {  	s3 =	simm.s32 $0x1780;
	s10 =	sadd.s32 s6, s1;
	s0 =	smax.u32 s29, $0x1  }
0xe: {  	v0 =	vimm.f32 $0.0e+00;
	s11 =	sadd.s32 s6, s2;
	[dreg:$0x4] =	wrdreg s0;
	s0 =	simm.s32 $0x1700  }
.LBB2_1:
0xf: {  	[dreg:$0x5] =	wrdreg s20;
	s19 =	simm.s32 $0x40;
	s20 =	simm.s32 $0x0  }
.LBB2_2:
0x10: {  	p0 =	sne.s32 s19, $0x1D5C0;
	[tilespmem:s20+$0x1800] =	vst v0;
	s20 =	smov.u32 s19;
	s19 =	sadd.s32 $0x40, s19  }
.Ltmp0:
0x11: {  	(pc) =	sbr.rel @p0 .LBB2_2-.Ltmp0, $2  }
0x12: {  	_ =	sdelay $0x2  }
0x13: {  	s20 =	sshra.s32 s20, $0x2  }
0x14: {  	[tilespmem:s20+$0x1800] =	vst v0;
	s19 =	simm.s32 $0x1800  }
0x15: {  	[spmem:s10] =	stream.linear.scatter [tilespmem:s19], [sflag:$0x2], $0x7580, $0x38;
	[tilespmem:$0x17880] =	vst v63  }
0x16: {  	_ =	swait.ge [sflag:s16], $0x7580  }
0x17: {  	[sflag:s16] =	ssyncset.done $0x0  }
0x18: {  	[sflag:s16] =	ssyncadd.s32 $0xFFFF8A80  }
0x19: {  	[spmem:s11] =	stream.linear.scatter [tilespmem:s19], [sflag:$0x2], $0x7580, $0x38;
	[tilespmem:$0x17880] =	vst v63  }
0x1a: {  	_ =	swait.ge [sflag:s16], $0x7580  }
0x1b: {  	[sflag:s16] =	ssyncset.done $0x0  }
0x1c: {  	[sflag:s16] =	ssyncadd.s32 $0xFFFF8A80  }
0x1d: {  	s20 =	simm.s32 $0x0;
	s19 =	simm.s32 $0x0;
	[bflag:$0x0] =	sbarrier.arrive $0xFFFF  }
.LBB2_4:
0x1e: {  	s22 =	sadd.s32 s12, s20  }
0x1f: {  	s24 =	sshll.u32 s22, $0xB  }
0x20: {  	s24 =	sor.u32 s13, s24  }
0x21: {  	s28 =	sadd.s32 s5, s24  }
0x22: {  	[tilespmem:s19], [sflag:$0x2] =	stream.linear.gather [hbm4b:s28+s19], $0x400, $0x38;
	[tilespmem:$0x17880] =	vst v63  }
0x23: {  	_ =	swait.ge [sflag:s16], $0x400  }
0x24: {  	[sflag:s16] =	ssyncset.done $0x0  }
0x25: {  	s24 =	sadd.s32 s7, s24;
	s28 =	simm.s32 $0x400;
	[sflag:s16] =	ssyncadd.s32 $0xFFFFFC00  }
0x26: {  	[tilespmem:s28], [sflag:$0x2] =	stream.linear.gather [hbm4b:s24+s19], $0x400, $0x38;
	[tilespmem:$0x17880] =	vst v63  }
0x27: {  	_ =	swait.ge [sflag:s16], $0x400  }
0x28: {  	[sflag:s16] =	ssyncset.done $0x0  }
0x29: {  	s24 =	simm.s32 $0x0;
	[sflag:s16] =	ssyncadd.s32 $0xFFFFFC00  }
0x2a: {  	v1 =	vld [tilespmem:s24+$0x0]  }
0x2b: {  	v2 =	vld [tilespmem:s24+$0x400];
	_ =	sdelay $0x2  }
0x2c: {  	s28 =	simm.s32 $0x40  }
.LBB2_5:
0x2d: {  	s29 =	sshra.s32 s28, $0x2;
	p0 =	sne.s32 s28, $0xFC0;
	s28 =	sadd.s32 $0x40, s28;
	vm0 =	vlt.s32 v1, $0x75300  }
.Ltmp1:
0x2e: {  	v1 =	vld [tilespmem:s29+$0x0];
	v3 =	vsel vm0, $0x3F800000, v0;
	v4 =	vnsel vm0, $0x0, v2;
	(pc) =	sbr.rel @p0 .LBB2_5-.Ltmp1, $4  }
0x2f: {  	v2 =	vld [tilespmem:s29+$0x400];
	[tilespmem:s24+$0x800] =	vst v3;
	v3 =	vsub.f32 $0.0e+00, v3;
	v5 =	vsub.f32 $0.0e+00, v4  }
0x30: {  	[tilespmem:s24+$0xC00] =	vst v4  }
0x31: {  	[tilespmem:s24+$0x1400] =	vst v5  }
0x32: {  	[tilespmem:s24+$0x1000] =	vst v3;
	s24 =	smov.u32 s29  }
0x33: {  	vm0 =	vlt.s32 v1, $0x75300  }
0x34: {  	v1 =	vsel vm0, $0x3F800000, v0;
	v2 =	vnsel vm0, $0x0, v2  }
0x35: {  	[tilespmem:s24+$0x800] =	vst v1;
	v3 =	vsub.f32 $0.0e+00, v2  }
0x36: {  	v1 =	vsub.f32 $0.0e+00, v1;
	[tilespmem:s24+$0xC00] =	vst v2  }
0x37: {  	[tilespmem:s24+$0x1400] =	vst v3  }
0x38: {  	s28 =	simm.s32 $0x800;
	[tilespmem:s24+$0x1000] =	vst v1  }
0x39: {  	[spmem:s1] =	stream.indirect.scatter [tilespmem:s28], [sflag:$0x1], $0x1, s4, s18, $0xb8;
	[tilespmem:$0x17880] =	vst v63  }
0x3a: {  	s29 =	simm.s32 $0xC00  }
0x3b: {  	[spmem:s2] =	stream.indirect.scatter [tilespmem:s29], [sflag:$0x1], $0x1, s4, s18, $0xb8;
	[tilespmem:$0x17880] =	vst v63  }
0x3c: {  	s28 =	simm.s32 $0x880  }
0x3d: {  	[spmem:s1] =	stream.indirect.scatter [tilespmem:s28], [sflag:$0x1], $0x1, s18, s18, $0xb8;
	[tilespmem:$0x17880] =	vst v63  }
0x3e: {  	s29 =	simm.s32 $0xC80  }
0x3f: {  	[spmem:s2] =	stream.indirect.scatter [tilespmem:s29], [sflag:$0x1], $0x1, s18, s18, $0xb8;
	[tilespmem:$0x17880] =	vst v63  }
0x40: {  	s28 =	simm.s32 $0x900  }
0x41: {  	[spmem:s1] =	stream.indirect.scatter [tilespmem:s28], [sflag:$0x1], $0x1, s23, s18, $0xb8;
	[tilespmem:$0x17880] =	vst v63  }
0x42: {  	s29 =	simm.s32 $0xD00  }
0x43: {  	[spmem:s2] =	stream.indirect.scatter [tilespmem:s29], [sflag:$0x1], $0x1, s23, s18, $0xb8;
	[tilespmem:$0x17880] =	vst v63  }
0x44: {  	s28 =	simm.s32 $0x980  }
0x45: {  	[spmem:s1] =	stream.indirect.scatter [tilespmem:s28], [sflag:$0x1], $0x1, s26, s18, $0xb8;
	[tilespmem:$0x17880] =	vst v63  }
0x46: {  	s29 =	simm.s32 $0xD80  }
0x47: {  	[spmem:s2] =	stream.indirect.scatter [tilespmem:s29], [sflag:$0x1], $0x1, s26, s18, $0xb8;
	[tilespmem:$0x17880] =	vst v63  }
0x48: {  	s28 =	simm.s32 $0xA00  }
0x49: {  	[spmem:s1] =	stream.indirect.scatter [tilespmem:s28], [sflag:$0x1], $0x1, s30, s18, $0xb8;
	[tilespmem:$0x17880] =	vst v63  }
0x4a: {  	s29 =	simm.s32 $0xE00  }
0x4b: {  	[spmem:s2] =	stream.indirect.scatter [tilespmem:s29], [sflag:$0x1], $0x1, s30, s18, $0xb8;
	[tilespmem:$0x17880] =	vst v63  }
0x4c: {  	s28 =	simm.s32 $0xA80  }
0x4d: {  	[spmem:s1] =	stream.indirect.scatter [tilespmem:s28], [sflag:$0x1], $0x1, s15, s18, $0xb8;
	[tilespmem:$0x17880] =	vst v63  }
0x4e: {  	s29 =	simm.s32 $0xE80  }
0x4f: {  	[spmem:s2] =	stream.indirect.scatter [tilespmem:s29], [sflag:$0x1], $0x1, s15, s18, $0xb8;
	[tilespmem:$0x17880] =	vst v63  }
0x50: {  	s28 =	simm.s32 $0xB00  }
0x51: {  	[spmem:s1] =	stream.indirect.scatter [tilespmem:s28], [sflag:$0x1], $0x1, s17, s18, $0xb8;
	[tilespmem:$0x17880] =	vst v63  }
0x52: {  	s29 =	simm.s32 $0xF00  }
0x53: {  	[spmem:s2] =	stream.indirect.scatter [tilespmem:s29], [sflag:$0x1], $0x1, s17, s18, $0xb8;
	[tilespmem:$0x17880] =	vst v63  }
0x54: {  	s28 =	simm.s32 $0xB80  }
0x55: {  	[spmem:s1] =	stream.indirect.scatter [tilespmem:s28], [sflag:$0x1], $0x1, s21, s18, $0xb8;
	[tilespmem:$0x17880] =	vst v63  }
0x56: {  	s29 =	simm.s32 $0xF80  }
0x57: {  	[spmem:s2] =	stream.indirect.scatter [tilespmem:s29], [sflag:$0x1], $0x1, s21, s18, $0xb8;
	[tilespmem:$0x17880] =	vst v63  }
0x58: {  	_ =	swait.ge [sflag:s25], $0x80  }
0x59: {  	[sflag:s25] =	ssyncset.done $0x0  }
0x5a: {  	[sflag:s25] =	ssyncadd.s32 $0xFFFFFF80  }
0x5b: {  	_ =	swait.ge [sflag:s25], $0x80  }
0x5c: {  	[sflag:s25] =	ssyncset.done $0x0  }
0x5d: {  	[sflag:s25] =	ssyncadd.s32 $0xFFFFFF80  }
0x5e: {  	_ =	swait.ge [sflag:s25], $0x80  }
0x5f: {  	[sflag:s25] =	ssyncset.done $0x0  }
0x60: {  	[sflag:s25] =	ssyncadd.s32 $0xFFFFFF80  }
0x61: {  	_ =	swait.ge [sflag:s25], $0x80  }
0x62: {  	[sflag:s25] =	ssyncset.done $0x0  }
0x63: {  	[sflag:s25] =	ssyncadd.s32 $0xFFFFFF80  }
0x64: {  	_ =	swait.ge [sflag:s25], $0x80  }
0x65: {  	[sflag:s25] =	ssyncset.done $0x0  }
0x66: {  	[sflag:s25] =	ssyncadd.s32 $0xFFFFFF80  }
0x67: {  	_ =	swait.ge [sflag:s25], $0x80  }
0x68: {  	[sflag:s25] =	ssyncset.done $0x0  }
0x69: {  	[sflag:s25] =	ssyncadd.s32 $0xFFFFFF80  }
0x6a: {  	_ =	swait.ge [sflag:s25], $0x80  }
0x6b: {  	[sflag:s25] =	ssyncset.done $0x0  }
0x6c: {  	[sflag:s25] =	ssyncadd.s32 $0xFFFFFF80  }
0x6d: {  	_ =	swait.ge [sflag:s25], $0x80  }
0x6e: {  	[sflag:s25] =	ssyncset.done $0x0  }
0x6f: {  	[sflag:s25] =	ssyncadd.s32 $0xFFFFFF80  }
0x70: {  	_ =	swait.ge [sflag:s25], $0x80  }
0x71: {  	[sflag:s25] =	ssyncset.done $0x0  }
0x72: {  	[sflag:s25] =	ssyncadd.s32 $0xFFFFFF80  }
0x73: {  	_ =	swait.ge [sflag:s25], $0x80  }
0x74: {  	[sflag:s25] =	ssyncset.done $0x0  }
0x75: {  	[sflag:s25] =	ssyncadd.s32 $0xFFFFFF80  }
0x76: {  	_ =	swait.ge [sflag:s25], $0x80  }
0x77: {  	[sflag:s25] =	ssyncset.done $0x0  }
0x78: {  	[sflag:s25] =	ssyncadd.s32 $0xFFFFFF80  }
0x79: {  	_ =	swait.ge [sflag:s25], $0x80  }
0x7a: {  	[sflag:s25] =	ssyncset.done $0x0  }
0x7b: {  	[sflag:s25] =	ssyncadd.s32 $0xFFFFFF80  }
0x7c: {  	_ =	swait.ge [sflag:s25], $0x80  }
0x7d: {  	[sflag:s25] =	ssyncset.done $0x0  }
0x7e: {  	[sflag:s25] =	ssyncadd.s32 $0xFFFFFF80  }
0x7f: {  	_ =	swait.ge [sflag:s25], $0x80  }
0x80: {  	[sflag:s25] =	ssyncset.done $0x0  }
0x81: {  	[sflag:s25] =	ssyncadd.s32 $0xFFFFFF80  }
0x82: {  	_ =	swait.ge [sflag:s25], $0x80  }
0x83: {  	s22 =	smul.u32 $0x75800, s22;
	[sflag:s25] =	ssyncset.done $0x0  }
0x84: {  	[sflag:s25] =	ssyncadd.s32 $0xFFFFFF80  }
0x85: {  	s22 =	sadd.s32 s6, s22;
	_ =	swait.ge [sflag:s25], $0x80  }
0x86: {  	s22 =	sshrl.u32 s22, $0x3;
	s28 =	stileid.u32;
	[sflag:s25] =	ssyncset.done $0x0  }
0x87: {  	s24 =	sshll.u32 s28, $0x6;
	s28 =	sadd.s32 s8, s22;
	[sflag:s25] =	ssyncadd.s32 $0xFFFFFF80  }
0x88: {  	s24 =	sor.u32 $0x1C01, s24;
	s29 =	sshrl.u32 s10, $0x3;
	[bflag:$0x0] =	sbarrier.arrive $0xFFFF  }
0x89: {  	[hbm:s28], [sflag:s24] =	dma.local [spmem:s29], $0xEB0  }
0x8a: {  	s22 =	sadd.s32 s9, s22;
	s29 =	sshrl.u32 s11, $0x3  }
0x8b: {  	[hbm:s22], [sflag:s24] =	dma.local [spmem:s29], $0xEB0  }
0x8c: {  	_ =	swait.ge [sflag:s25], $0xEB0  }
0x8d: {  	[sflag:s25] =	ssyncset.done $0x0  }
0x8e: {  	[sflag:s25] =	ssyncadd.s32 $0xFFFFF150  }
0x8f: {  	_ =	swait.ge [sflag:s25], $0xEB0  }
0x90: {  	[sflag:s25] =	ssyncset.done $0x0  }
0x91: {  	[sflag:s25] =	ssyncadd.s32 $0xFFFFF150  }
0x92: {  	s24 =	simm.s32 $0x1000;
	[bflag:$0x0] =	sbarrier.arrive $0xFFFF  }
0x93: {  	[spmem:s1] =	stream.indirect.scatter [tilespmem:s24], [sflag:$0x1], $0x1, s4, s18, $0xb8;
	[tilespmem:$0x17880] =	vst v63  }
0x94: {  	s28 =	simm.s32 $0x1400  }
0x95: {  	[spmem:s2] =	stream.indirect.scatter [tilespmem:s28], [sflag:$0x1], $0x1, s4, s18, $0xb8;
	[tilespmem:$0x17880] =	vst v63  }
0x96: {  	s29 =	simm.s32 $0x1080  }
0x97: {  	[spmem:s1] =	stream.indirect.scatter [tilespmem:s29], [sflag:$0x1], $0x1, s18, s18, $0xb8;
	[tilespmem:$0x17880] =	vst v63  }
0x98: {  	s24 =	simm.s32 $0x1480  }
0x99: {  	[spmem:s2] =	stream.indirect.scatter [tilespmem:s24], [sflag:$0x1], $0x1, s18, s18, $0xb8;
	[tilespmem:$0x17880] =	vst v63  }
0x9a: {  	s28 =	simm.s32 $0x1100  }
0x9b: {  	[spmem:s1] =	stream.indirect.scatter [tilespmem:s28], [sflag:$0x1], $0x1, s23, s18, $0xb8;
	[tilespmem:$0x17880] =	vst v63  }
0x9c: {  	s29 =	simm.s32 $0x1500  }
0x9d: {  	[spmem:s2] =	stream.indirect.scatter [tilespmem:s29], [sflag:$0x1], $0x1, s23, s18, $0xb8;
	[tilespmem:$0x17880] =	vst v63  }
0x9e: {  	s24 =	simm.s32 $0x1180  }
0x9f: {  	[spmem:s1] =	stream.indirect.scatter [tilespmem:s24], [sflag:$0x1], $0x1, s26, s18, $0xb8;
	[tilespmem:$0x17880] =	vst v63  }
0xa0: {  	s28 =	simm.s32 $0x1580  }
0xa1: {  	[spmem:s2] =	stream.indirect.scatter [tilespmem:s28], [sflag:$0x1], $0x1, s26, s18, $0xb8;
	[tilespmem:$0x17880] =	vst v63  }
0xa2: {  	s29 =	simm.s32 $0x1200  }
0xa3: {  	[spmem:s1] =	stream.indirect.scatter [tilespmem:s29], [sflag:$0x1], $0x1, s30, s18, $0xb8;
	[tilespmem:$0x17880] =	vst v63  }
0xa4: {  	s24 =	simm.s32 $0x1600  }
0xa5: {  	[spmem:s2] =	stream.indirect.scatter [tilespmem:s24], [sflag:$0x1], $0x1, s30, s18, $0xb8;
	[tilespmem:$0x17880] =	vst v63  }
0xa6: {  	s28 =	simm.s32 $0x1280  }
0xa7: {  	[spmem:s1] =	stream.indirect.scatter [tilespmem:s28], [sflag:$0x1], $0x1, s15, s18, $0xb8;
	[tilespmem:$0x17880] =	vst v63  }
0xa8: {  	s29 =	simm.s32 $0x1680  }
0xa9: {  	[spmem:s2] =	stream.indirect.scatter [tilespmem:s29], [sflag:$0x1], $0x1, s15, s18, $0xb8;
	[tilespmem:$0x17880] =	vst v63  }
0xaa: {  	_ = 	snop  }
0xab: {  	[spmem:s1] =	stream.indirect.scatter [tilespmem:s31], [sflag:$0x1], $0x1, s17, s18, $0xb8;
	[tilespmem:$0x17880] =	vst v63  }
0xac: {  	_ = 	snop  }
0xad: {  	[spmem:s2] =	stream.indirect.scatter [tilespmem:s0], [sflag:$0x1], $0x1, s17, s18, $0xb8;
	[tilespmem:$0x17880] =	vst v63  }
0xae: {  	_ = 	snop  }
0xaf: {  	[spmem:s1] =	stream.indirect.scatter [tilespmem:s14], [sflag:$0x1], $0x1, s21, s18, $0xb8;
	[tilespmem:$0x17880] =	vst v63  }
0xb0: {  	_ = 	snop  }
0xb1: {  	[spmem:s2] =	stream.indirect.scatter [tilespmem:s3], [sflag:$0x1], $0x1, s21, s18, $0xb8;
	[tilespmem:$0x17880] =	vst v63  }
0xb2: {  	_ =	swait.ge [sflag:s25], $0x80  }
0xb3: {  	[sflag:s25] =	ssyncset.done $0x0  }
0xb4: {  	[sflag:s25] =	ssyncadd.s32 $0xFFFFFF80  }
0xb5: {  	_ =	swait.ge [sflag:s25], $0x80  }
0xb6: {  	[sflag:s25] =	ssyncset.done $0x0  }
0xb7: {  	[sflag:s25] =	ssyncadd.s32 $0xFFFFFF80  }
0xb8: {  	_ =	swait.ge [sflag:s25], $0x80  }
0xb9: {  	[sflag:s25] =	ssyncset.done $0x0  }
0xba: {  	[sflag:s25] =	ssyncadd.s32 $0xFFFFFF80  }
0xbb: {  	_ =	swait.ge [sflag:s25], $0x80  }
0xbc: {  	[sflag:s25] =	ssyncset.done $0x0  }
0xbd: {  	[sflag:s25] =	ssyncadd.s32 $0xFFFFFF80  }
0xbe: {  	_ =	swait.ge [sflag:s25], $0x80  }
0xbf: {  	[sflag:s25] =	ssyncset.done $0x0  }
0xc0: {  	[sflag:s25] =	ssyncadd.s32 $0xFFFFFF80  }
0xc1: {  	_ =	swait.ge [sflag:s25], $0x80  }
0xc2: {  	[sflag:s25] =	ssyncset.done $0x0  }
0xc3: {  	[sflag:s25] =	ssyncadd.s32 $0xFFFFFF80  }
0xc4: {  	_ =	swait.ge [sflag:s25], $0x80  }
0xc5: {  	[sflag:s25] =	ssyncset.done $0x0  }
0xc6: {  	[sflag:s25] =	ssyncadd.s32 $0xFFFFFF80  }
0xc7: {  	_ =	swait.ge [sflag:s25], $0x80  }
0xc8: {  	[sflag:s25] =	ssyncset.done $0x0  }
0xc9: {  	[sflag:s25] =	ssyncadd.s32 $0xFFFFFF80  }
0xca: {  	_ =	swait.ge [sflag:s25], $0x80  }
0xcb: {  	[sflag:s25] =	ssyncset.done $0x0  }
0xcc: {  	[sflag:s25] =	ssyncadd.s32 $0xFFFFFF80  }
0xcd: {  	_ =	swait.ge [sflag:s25], $0x80  }
0xce: {  	[sflag:s25] =	ssyncset.done $0x0  }
0xcf: {  	[sflag:s25] =	ssyncadd.s32 $0xFFFFFF80  }
0xd0: {  	_ =	swait.ge [sflag:s25], $0x80  }
0xd1: {  	[sflag:s25] =	ssyncset.done $0x0  }
0xd2: {  	[sflag:s25] =	ssyncadd.s32 $0xFFFFFF80  }
0xd3: {  	_ =	swait.ge [sflag:s25], $0x80  }
0xd4: {  	[sflag:s25] =	ssyncset.done $0x0  }
0xd5: {  	[sflag:s25] =	ssyncadd.s32 $0xFFFFFF80  }
0xd6: {  	_ =	swait.ge [sflag:s25], $0x80  }
0xd7: {  	[sflag:s25] =	ssyncset.done $0x0  }
0xd8: {  	[sflag:s25] =	ssyncadd.s32 $0xFFFFFF80  }
0xd9: {  	_ =	swait.ge [sflag:s25], $0x80  }
0xda: {  	[sflag:s25] =	ssyncset.done $0x0  }
0xdb: {  	s20 =	sadd.s32 $0x1, s20;
	[sflag:s25] =	ssyncadd.s32 $0xFFFFFF80  }
0xdc: {  	p0 =	sne.s32 s20, $0x8;
	_ =	swait.ge [sflag:s25], $0x80  }
.Ltmp2:
0xdd: {  	[sflag:s25] =	ssyncset.done $0x0;
	(pc) =	sbr.rel @p0 .LBB2_4-.Ltmp2, $4  }
0xde: {  	[sflag:s25] =	ssyncadd.s32 $0xFFFFFF80  }
0xdf: {  	_ =	swait.ge [sflag:s25], $0x80  }
0xe0: {  	[sflag:s25] =	ssyncset.done $0x0  }
0xe1: {  	[sflag:s25] =	ssyncadd.s32 $0xFFFFFF80  }
0xe2: {  	s20 =	rddreg [dreg:$0x5]  }
0xe3: {  	s19 =	rddreg [dreg:$0x4];
	s20 =	sadd.s32 $0x1, s20  }
0xe4: {  	p0 =	sne.s32 s20, s19  }
.Ltmp3:
0xe5: {  	_ = 	snop;
	(pc) =	sbr.rel @p0 .LBB2_1-.Ltmp3, $1  }
0xe6: {  	_ =	sdelay $0x3  }
0xe7: {  	_ =	sfence.sel $0x180000  }
0xe8: {  	[bflag:$0x0] =	sbarrier.arrive $0xFFFF  }
0xe9: {  	_ =	strace $0x90000047  }
0xea: {  	s0 =	stileid.u32;
	[bflag:$0x2] =	sbarrier.arrive $0xFFFF  }
0xeb: {  	p0 =	sne.s32 s0, $0x0;
	s0 =	rddreg [dreg:$0x3]  }
0xec: {  	s0 =	sadd.s32 @!p0 $0x100000, s0  }
0xed: {  	[sflag:s0] =	ssyncadd.tile.s32 @!p0 $0x1;
	_ =	shalt  }
.Lfunc_end2:
_tile_overlayer_lowered:
.L_overlay_start_2:
0xee: {  	(tag) =	ssettag $0x2  }
0xef: {  	s0 =	rddreg [dreg:$0x0];
	s2 =	stileid.u32  }
0xf0: {  	s1 =	rddreg [dreg:$0x1];
	p0 =	sne.s32 s2, $0x0  }
0xf1: {  	s3 =	rddreg [dreg:$0x2];
	[bflag:$0x3] =	sbarrier.arrive $0xFFFF;
	s2 =	simm.s32 @!p0 $0x1C02  }
0xf2: {  	[timem:s3], [sflag:s2] =	dma.local @!p0 [hbm:s0], s1  }
0xf3: {  	s0 =	simm.s32 @!p0 $0x2  }
0xf4: {  	_ =	swait.ge @!p0 [sflag:s0], s1  }
0xf5: {  	s1 =	ssub.s32 @!p0 $0x0, s1;
	[sflag:s0] =	ssyncset.done @!p0 $0x0  }
0xf6: {  	[sflag:s0] =	ssyncadd.s32 @!p0 s1  }
0xf7: {  	[bflag:$0x3] =	sbarrier.arrive $0xFFFF  }
0xf8: {  	_ =	shalt  }

</sc_bundles>
